<compile_context>
chip_gen: v7x
topology: tpu7x:2x2x1
jax: 0.10.2.dev20260603
libtpu: 0.0.44.dev20260713+nightly
codegen_flags: <defaults>
</compile_context>

<pallas_src>
import numpy as np
import jax
import jax.numpy as jnp
from jax import lax
from jax.experimental import pallas as pl

STRIDE = 16
RATIOS = (0.5, 1.0, 2.0)
SCALES = (8, 16, 32)
PRE_NMS = 12000
POST_NMS = 2000
NMS_THRESH = 0.7

_B = 512
_NPAD = 12288
_NB = _NPAD // _B
_KCAP = 2048

_P = 2500
_PT = 128
_PPAD = 2560
_NPT = _PPAD // _PT
_CIN = 512
_K9 = _CIN * 9


def _generate_anchor_base(base_size):
    ab = np.zeros((len(RATIOS) * len(SCALES), 4), dtype=np.float32)
    for i, r in enumerate(RATIOS):
        for j, s in enumerate(SCALES):
            h = base_size * s * np.sqrt(r)
            w = base_size * s * np.sqrt(1.0 / r)
            k = i * len(SCALES) + j
            ab[k, 0] = -w / 2.0
            ab[k, 1] = -h / 2.0
            ab[k, 2] = w / 2.0
            ab[k, 3] = h / 2.0
    return ab


def _get_anchors_np(base_size, stride, h, w):
    anchor_base = _generate_anchor_base(base_size)
    shift_x = np.arange(0, w * stride, stride, dtype=np.float32)
    shift_y = np.arange(0, h * stride, stride, dtype=np.float32)
    sx, sy = np.meshgrid(shift_x, shift_y)
    shifts = np.stack([sx.ravel(), sy.ravel(), sx.ravel(), sy.ravel()], axis=1)
    anchors = (shifts[:, None, :] + anchor_base[None, :, :]).reshape(-1, 4)
    return anchors.astype(np.float32)


def _conv2d(x, w, b, pad):
    out = lax.conv_general_dilated(x, w, (1, 1), pad, dimension_numbers=("NCHW", "OIHW", "NCHW"))
    return out + b[None, :, None, None]


def _transform_locs(anchors, locs):
    aw = anchors[:, 2] - anchors[:, 0]
    ah = anchors[:, 3] - anchors[:, 1]
    cx = anchors[:, 0] + 0.5 * aw
    cy = anchors[:, 1] + 0.5 * ah
    ncx = locs[:, 0] * aw + cx
    ncy = locs[:, 1] * ah + cy
    nw = jnp.exp(locs[:, 2]) * aw
    nh = jnp.exp(locs[:, 3]) * ah
    return jnp.stack([ncx - 0.5 * nw, ncy - 0.5 * nh, ncx + 0.5 * nw, ncy + 0.5 * nh], axis=1)



def _trunk_body(x_ref, w1_ref, b1_ref, wl_ref, bl_ref, ws_ref, bs_ref,
                locs_ref, scores_ref):
    xb = x_ref[...]
    xf = jnp.dot(w1_ref[...], xb, preferred_element_type=jnp.float32) + b1_ref[...]
    xf = jnp.maximum(xf, 0.0)
    locs_ref[...] = jnp.dot(wl_ref[...], xf, preferred_element_type=jnp.float32) + bl_ref[...]
    scores_ref[...] = jnp.dot(ws_ref[...], xf, preferred_element_type=jnp.float32) + bs_ref[...]


def _trunk_pallas(x, conv1_w, conv1_b, locs_w, locs_b, scores_w, scores_b):
    h, w = x.shape[2], x.shape[3]
    xpad = jnp.pad(x[0], ((0, 0), (1, 1), (1, 1)))
    taps = [xpad[:, dy:dy + h, dx:dx + w].reshape(_CIN, 1, h * w)
            for dy in range(3) for dx in range(3)]
    xcol = jnp.concatenate(taps, axis=1).reshape(_K9, h * w)
    xcol = jnp.pad(xcol, ((0, 0), (0, _PPAD - h * w)))
    w1 = conv1_w.reshape(_CIN, _K9)
    wl = locs_w.reshape(36, _CIN)
    ws = scores_w.reshape(18, _CIN)
    b1 = conv1_b.reshape(_CIN, 1)
    bl = locs_b.reshape(36, 1)
    bs = scores_b.reshape(18, 1)
    locs, scores = pl.pallas_call(
        _trunk_body,
        grid=(_NPT,),
        in_specs=[
            pl.BlockSpec((_K9, _PT), lambda i: (0, i)),
            pl.BlockSpec((_CIN, _K9), lambda i: (0, 0)),
            pl.BlockSpec((_CIN, 1), lambda i: (0, 0)),
            pl.BlockSpec((36, _CIN), lambda i: (0, 0)),
            pl.BlockSpec((36, 1), lambda i: (0, 0)),
            pl.BlockSpec((18, _CIN), lambda i: (0, 0)),
            pl.BlockSpec((18, 1), lambda i: (0, 0)),
        ],
        out_specs=[
            pl.BlockSpec((36, _PT), lambda i: (0, i)),
            pl.BlockSpec((18, _PT), lambda i: (0, i)),
        ],
        out_shape=[
            jax.ShapeDtypeStruct((36, _PPAD), jnp.float32),
            jax.ShapeDtypeStruct((18, _PPAD), jnp.float32),
        ],
    )(xcol, w1, b1, wl, bl, ws, bs)
    rpn_locs = locs[:, :h * w].T.reshape(1, h * w * 9, 4)
    rpn_scores = scores[:, :h * w].T.reshape(1, h * w * 9, 2)
    return rpn_locs, rpn_scores



def _fast_nms_roi(roi_tmp, valid_tmp):
    npre = roi_tmp.shape[0]
    b4 = jnp.pad(roi_tmp, ((0, _NPAD - npre), (0, 0)))
    x1, y1, x2, y2 = b4[:, 0], b4[:, 1], b4[:, 2], b4[:, 3]
    area = (x2 - x1) * (y2 - y1)
    sup0 = jnp.pad(jnp.logical_not(valid_tmp), (0, _NPAD - npre), constant_values=True)

    def block_cond(st):
        bi, cnt, _, _ = st
        return jnp.logical_and(bi < _NB, cnt < POST_NMS)

    def block_body(st):
        bi, cnt, kept, karea = st
        s = bi * _B
        bx1 = lax.dynamic_slice(x1, (s,), (_B,))
        by1 = lax.dynamic_slice(y1, (s,), (_B,))
        bx2 = lax.dynamic_slice(x2, (s,), (_B,))
        by2 = lax.dynamic_slice(y2, (s,), (_B,))
        ba = lax.dynamic_slice(area, (s,), (_B,))

        xx1 = jnp.maximum(kept[0][None, :], bx1[:, None])
        yy1 = jnp.maximum(kept[1][None, :], by1[:, None])
        xx2 = jnp.minimum(kept[2][None, :], bx2[:, None])
        yy2 = jnp.minimum(kept[3][None, :], by2[:, None])
        inter = jnp.maximum(xx2 - xx1, 0.0) * jnp.maximum(yy2 - yy1, 0.0)
        iou = inter / (karea[None, :] + ba[:, None] - inter + 1e-9)
        hit = jnp.any(iou > NMS_THRESH, axis=1)
        supb0 = lax.dynamic_slice(sup0, (s,), (_B,)) | hit

        xx1 = jnp.maximum(bx1[:, None], bx1[None, :])
        yy1 = jnp.maximum(by1[:, None], by1[None, :])
        xx2 = jnp.minimum(bx2[:, None], bx2[None, :])
        yy2 = jnp.minimum(by2[:, None], by2[None, :])
        inter = jnp.maximum(xx2 - xx1, 0.0) * jnp.maximum(yy2 - yy1, 0.0)
        ioub = inter / (ba[:, None] + ba[None, :] - inter + 1e-9)
        ii = lax.broadcasted_iota(jnp.int32, (_B, _B), 0)
        jj = lax.broadcasted_iota(jnp.int32, (_B, _B), 1)
        mb = (ioub > NMS_THRESH) & (jj > ii)

        def fix(sb):
            return supb0 | jnp.any(jnp.logical_not(sb)[:, None] & mb, axis=0)

        def fix_cond(fst):
            prev, cur = fst
            return jnp.any(prev != cur)

        def fix_body(fst):
            _, cur = fst
            return cur, fix(cur)

        _, supb = lax.while_loop(fix_cond, fix_body, (supb0, fix(supb0)))

        keepb = jnp.logical_not(supb)
        tgt = cnt + jnp.cumsum(keepb.astype(jnp.int32)) - 1
        tgt = jnp.where(keepb, tgt, _KCAP)
        kept = kept.at[:, tgt].set(jnp.stack([bx1, by1, bx2, by2]), mode="drop")
        karea = karea.at[tgt].set(ba, mode="drop")
        cnt = cnt + jnp.sum(keepb.astype(jnp.int32))
        return bi + 1, cnt, kept, karea

    kept0 = jnp.zeros((4, _KCAP), jnp.float32)
    karea0 = jnp.zeros((_KCAP,), jnp.float32)
    _, _, kept, _ = lax.while_loop(block_cond, block_body, (0, 0, kept0, karea0))
    return kept[:, :POST_NMS].T


def kernel(x, conv1_w, conv1_b, locs_w, locs_b, scores_w, scores_b, img_size, scale):
    n, c, h, w = x.shape
    anchors = jnp.asarray(_get_anchors_np(STRIDE, STRIDE, h, w))

    rpn_locs, rpn_scores = _trunk_pallas(
        x, conv1_w, conv1_b, locs_w, locs_b, scores_w, scores_b)

    xf = jax.nn.relu(_conv2d(x, conv1_w, conv1_b, ((1, 1), (1, 1))))
    r_locs = _conv2d(xf, locs_w, locs_b, ((0, 0), (0, 0)))
    r_scores = _conv2d(xf, scores_w, scores_b, ((0, 0), (0, 0)))
    r_locs = jnp.transpose(r_locs, (0, 2, 3, 1)).reshape(n, -1, 4)
    r_scores = jnp.transpose(r_scores, (0, 2, 3, 1)).reshape(n, -1, 2)

    scores = lax.stop_gradient(r_scores[0, :, 1])
    rois = _transform_locs(anchors, lax.stop_gradient(r_locs[0]))
    H = img_size[0].astype(jnp.float32)
    W = img_size[1].astype(jnp.float32)
    rois = jnp.stack([
        jnp.clip(rois[:, 0], 0.0, W),
        jnp.clip(rois[:, 1], 0.0, H),
        jnp.clip(rois[:, 2], 0.0, W),
        jnp.clip(rois[:, 3], 0.0, H),
    ], axis=1)
    min_size = 16.0 * scale
    ws_ = rois[:, 2] - rois[:, 0]
    hs_ = rois[:, 3] - rois[:, 1]
    valid = jnp.logical_and(ws_ >= min_size, hs_ >= min_size)
    scores_f = jnp.where(valid, scores, -jnp.inf)
    order = jnp.argsort(-scores_f)[:PRE_NMS]
    roi_tmp = rois[order]
    valid_tmp = valid[order]

    roi = _fast_nms_roi(roi_tmp, valid_tmp)
    return rpn_locs, rpn_scores, roi, anchors

# --- scband reference (transcript-rebuilt; emitter-appended) ---
"""Pipeline reference for scband-rpn-21921513079207 (READ-ONLY COPY).

The authoritative reference and input builder live on the scoring server;
editing this copy changes nothing except your own understanding.
"""

import jax, jax.numpy as jnp
import numpy as np
from jax import lax

STRIDE = 16
RATIOS = (0.5, 1.0, 2.0)
SCALES = (8, 16, 32)
PRE_NMS = 12000
POST_NMS = 2000
NMS_THRESH = 0.7


def generate_anchor_base(base_size):
    ab = np.zeros((len(RATIOS) * len(SCALES), 4), dtype=np.float32)
    for i, r in enumerate(RATIOS):
        for j, s in enumerate(SCALES):
            h = base_size * s * np.sqrt(r)
            w = base_size * s * np.sqrt(1.0 / r)
            k = i * len(SCALES) + j
            ab[k, 0] = -w / 2.0
            ab[k, 1] = -h / 2.0
            ab[k, 2] = w / 2.0
            ab[k, 3] = h / 2.0
    return ab


def get_anchors(anchor_base, stride, h, w):
    shift_x = np.arange(0, w * stride, stride, dtype=np.float32)
    shift_y = np.arange(0, h * stride, stride, dtype=np.float32)
    sx, sy = np.meshgrid(shift_x, shift_y)
    shifts = np.stack([sx.ravel(), sy.ravel(), sx.ravel(), sy.ravel()], axis=1)
    anchors = (shifts[:, None, :] + anchor_base[None, :, :]).reshape(-1, 4)
    return jnp.asarray(anchors, dtype=jnp.float32)


def conv2d(x, w, b, pad):
    out = lax.conv_general_dilated(x, w, (1, 1), pad, dimension_numbers=("NCHW", "OIHW", "NCHW"))
    return out + b[None, :, None, None]


def transform_locs(anchors, locs):
    aw = anchors[:, 2] - anchors[:, 0]
    ah = anchors[:, 3] - anchors[:, 1]
    cx = anchors[:, 0] + 0.5 * aw
    cy = anchors[:, 1] + 0.5 * ah
    ncx = locs[:, 0] * aw + cx
    ncy = locs[:, 1] * ah + cy
    nw = jnp.exp(locs[:, 2]) * aw
    nh = jnp.exp(locs[:, 3]) * ah
    return jnp.stack([ncx - 0.5 * nw, ncy - 0.5 * nh, ncx + 0.5 * nw, ncy + 0.5 * nh], axis=1)


def iou_one_to_many(box, boxes):
    xx1 = jnp.maximum(box[0], boxes[:, 0])
    yy1 = jnp.maximum(box[1], boxes[:, 1])
    xx2 = jnp.minimum(box[2], boxes[:, 2])
    yy2 = jnp.minimum(box[3], boxes[:, 3])
    inter = jnp.maximum(xx2 - xx1, 0.0) * jnp.maximum(yy2 - yy1, 0.0)
    a1 = (box[2] - box[0]) * (box[3] - box[1])
    a2 = (boxes[:, 2] - boxes[:, 0]) * (boxes[:, 3] - boxes[:, 1])
    return inter / (a1 + a2 - inter + 1e-9)


def nms_fixed(boxes, valid, thresh):
    n = boxes.shape[0]
    idxs = jnp.arange(n)

    def body(i, state):
        keep, sup = state
        live = jnp.logical_and(jnp.logical_not(sup[i]), valid[i])
        keep = keep.at[i].set(live)
        ious = iou_one_to_many(boxes[i], boxes)
        sup = jnp.logical_or(sup, jnp.logical_and(live, jnp.logical_and(ious > thresh, idxs > i)))
        return keep, sup

    keep, _ = lax.fori_loop(0, n, body, (jnp.zeros(n, dtype=bool), jnp.logical_not(valid)))
    return keep


def setup_inputs(seed: int = 0):
    key = jax.random.key(seed)
    ks = jax.random.split(key, 8)
    x = jax.random.normal(ks[0], (1, 512, 50, 50), dtype=jnp.float32)
    conv1_w = jax.random.normal(ks[1], (512, 512, 3, 3), dtype=jnp.float32) * 0.01
    conv1_b = jnp.zeros((512,), dtype=jnp.float32)
    locs_w = jax.random.normal(ks[2], (36, 512, 1, 1), dtype=jnp.float32) * 0.01
    locs_b = jnp.zeros((36,), dtype=jnp.float32)
    scores_w = jax.random.normal(ks[3], (18, 512, 1, 1), dtype=jnp.float32) * 0.01
    scores_b = jnp.zeros((18,), dtype=jnp.float32)
    img_size = jnp.array([800, 800], dtype=jnp.int32)
    scale = 1
    return {"x": x, "conv1_w": conv1_w, "conv1_b": conv1_b, "locs_w": locs_w, "locs_b": locs_b, "scores_w": scores_w, "scores_b": scores_b, "img_size": img_size, "scale": scale}


def reference(x, conv1_w, conv1_b, locs_w, locs_b, scores_w, scores_b, img_size, scale):
    n, c, h, w = x.shape
    anchor_base = generate_anchor_base(STRIDE)
    anchors = get_anchors(anchor_base, STRIDE, h, w)
    xf = jax.nn.relu(conv2d(x, conv1_w, conv1_b, ((1, 1), (1, 1))))
    rpn_locs = conv2d(xf, locs_w, locs_b, ((0, 0), (0, 0)))
    rpn_scores = conv2d(xf, scores_w, scores_b, ((0, 0), (0, 0)))
    rpn_locs = jnp.transpose(rpn_locs, (0, 2, 3, 1)).reshape(n, -1, 4)
    rpn_scores = jnp.transpose(rpn_scores, (0, 2, 3, 1)).reshape(n, -1, 2)
    scores = lax.stop_gradient(rpn_scores[0, :, 1])
    rois = transform_locs(anchors, lax.stop_gradient(rpn_locs[0]))
    H = img_size[0].astype(jnp.float32)
    W = img_size[1].astype(jnp.float32)
    rois = jnp.stack([jnp.clip(rois[:, 0], 0.0, W), jnp.clip(rois[:, 1], 0.0, H), jnp.clip(rois[:, 2], 0.0, W), jnp.clip(rois[:, 3], 0.0, H)], axis=1)
    min_size = 16.0 * scale
    ws = rois[:, 2] - rois[:, 0]
    hs = rois[:, 3] - rois[:, 1]
    valid = jnp.logical_and(ws >= min_size, hs >= min_size)
    scores_f = jnp.where(valid, scores, -jnp.inf)
    order = jnp.argsort(-scores_f)[:PRE_NMS]
    roi_tmp = rois[order]
    valid_tmp = valid[order]
    keep = nms_fixed(roi_tmp, valid_tmp, NMS_THRESH)
    rank = jnp.cumsum(keep.astype(jnp.int32))
    sel = jnp.logical_and(keep, rank <= POST_NMS)
    npre = roi_tmp.shape[0]
    pos = jnp.where(sel, jnp.arange(npre), npre)
    pos_sorted = jnp.sort(pos)[:POST_NMS]
    gather_idx = jnp.clip(pos_sorted, 0, npre - 1)
    roi = roi_tmp[gather_idx] * (pos_sorted < npre)[:, None].astype(jnp.float32)
    return rpn_locs, rpn_scores, roi, anchors

if __name__ == "__main__":
    import jax
    _d = setup_inputs()
    print(jax.jit(kernel)(*tuple(_d.values())))

</pallas_src>

<mosaic_0001>
module attributes {stable_mosaic.version = 14 : i64} {
  func.func @_trunk_body(%arg0: i32, %arg1: memref<4608x128xf32, #tpu.memory_space<vmem>>, %arg2: memref<512x4608xf32, #tpu.memory_space<vmem>>, %arg3: memref<512x1xf32, #tpu.memory_space<vmem>>, %arg4: memref<36x512xf32, #tpu.memory_space<vmem>>, %arg5: memref<36x1xf32, #tpu.memory_space<vmem>>, %arg6: memref<18x512xf32, #tpu.memory_space<vmem>>, %arg7: memref<18x1xf32, #tpu.memory_space<vmem>>, %arg8: memref<36x128xf32, #tpu.memory_space<vmem>>, %arg9: memref<18x128xf32, #tpu.memory_space<vmem>>) attributes {dimension_semantics = [#tpu.dimension_semantics<arbitrary>], iteration_bounds = array<i64: 20>, scalar_prefetch = 0 : i64, scratch_operands = 0 : i64, tpu.core_type = #tpu.core_type<tc>, window_params = [{transform_indices = @transform_0, window_bounds = array<i64: 4608, 128>}, {pipeline_mode = #tpu.pipeline_mode<synchronous>, transform_indices = @transform_1, window_bounds = array<i64: 512, 4608>}, {pipeline_mode = #tpu.pipeline_mode<synchronous>, transform_indices = @transform_2, window_bounds = array<i64: 512, 1>}, {pipeline_mode = #tpu.pipeline_mode<synchronous>, transform_indices = @transform_3, window_bounds = array<i64: 36, 512>}, {pipeline_mode = #tpu.pipeline_mode<synchronous>, transform_indices = @transform_4, window_bounds = array<i64: 36, 1>}, {pipeline_mode = #tpu.pipeline_mode<synchronous>, transform_indices = @transform_5, window_bounds = array<i64: 18, 512>}, {pipeline_mode = #tpu.pipeline_mode<synchronous>, transform_indices = @transform_6, window_bounds = array<i64: 18, 1>}, {transform_indices = @transform_7, window_bounds = array<i64: 36, 128>}, {transform_indices = @transform_8, window_bounds = array<i64: 18, 128>}]} {
    %get3A = arith.constant 0 : index
    %get3A_0 = arith.constant 0 : index
    %get3A_1 = vector.load %arg1[%get3A, %get3A_0] : memref<4608x128xf32, #tpu.memory_space<vmem>>, vector<4608x128xf32>
    %get3A_2 = arith.constant 0 : index
    %get3A_3 = arith.constant 0 : index
    %get3A_4 = vector.load %arg2[%get3A_2, %get3A_3] : memref<512x4608xf32, #tpu.memory_space<vmem>>, vector<512x4608xf32>
    %dot_general3A = arith.constant dense<0.000000e+00> : vector<512x128xf32>
    %dot_general3A_5 = tpu.matmul %get3A_4, %get3A_1, %dot_general3A {dimension_numbers = #tpu.dot_dimension_numbers<[1], [0], [0], [1], [0, 0, 1, 1], [], []>, transpose_lhs_hint = false} : vector<512x4608xf32>, vector<4608x128xf32>, vector<512x128xf32> -> vector<512x128xf32>
    %get3A_6 = arith.constant 0 : index
    %get3A_7 = arith.constant 0 : index
    %get3A_8 = vector.load %arg3[%get3A_6, %get3A_7] : memref<512x1xf32, #tpu.memory_space<vmem>>, vector<512x1xf32>
    %add3A = vector.broadcast %get3A_8 : vector<512x1xf32> to vector<512x128xf32>
    %add3A_9 = arith.addf %dot_general3A_5, %add3A : vector<512x128xf32>
    %max3A = arith.constant 0.000000e+00 : f32
    %max3A_10 = vector.broadcast %max3A : f32 to vector<512x128xf32>
    %max3A_11 = arith.maximumf %add3A_9, %max3A_10 : vector<512x128xf32>
    %get3A_12 = arith.constant 0 : index
    %get3A_13 = arith.constant 0 : index
    %get3A_14 = vector.load %arg4[%get3A_12, %get3A_13] : memref<36x512xf32, #tpu.memory_space<vmem>>, vector<36x512xf32>
    %dot_general3A_15 = arith.constant dense<0.000000e+00> : vector<36x128xf32>
    %dot_general3A_16 = tpu.matmul %get3A_14, %max3A_11, %dot_general3A_15 {dimension_numbers = #tpu.dot_dimension_numbers<[1], [0], [0], [1], [0, 0, 1, 1], [], []>, transpose_lhs_hint = false} : vector<36x512xf32>, vector<512x128xf32>, vector<36x128xf32> -> vector<36x128xf32>
    %get3A_17 = arith.constant 0 : index
    %get3A_18 = arith.constant 0 : index
    %get3A_19 = vector.load %arg5[%get3A_17, %get3A_18] : memref<36x1xf32, #tpu.memory_space<vmem>>, vector<36x1xf32>
    %add3A_20 = vector.broadcast %get3A_19 : vector<36x1xf32> to vector<36x128xf32>
    %add3A_21 = arith.addf %dot_general3A_16, %add3A_20 : vector<36x128xf32>
    %swap3A = arith.constant 0 : index
    %swap3A_22 = arith.constant 0 : index
    %swap3A_23 = vector.load %arg8[%swap3A, %swap3A_22] : memref<36x128xf32, #tpu.memory_space<vmem>>, vector<36x128xf32>
    tpu.vector_store %arg8[%swap3A, %swap3A_22], %add3A_21 {strides = array<i32>} : memref<36x128xf32, #tpu.memory_space<vmem>>, vector<36x128xf32>,
    %get3A_24 = arith.constant 0 : index
    %get3A_25 = arith.constant 0 : index
    %get3A_26 = vector.load %arg6[%get3A_24, %get3A_25] : memref<18x512xf32, #tpu.memory_space<vmem>>, vector<18x512xf32>
    %dot_general3A_27 = arith.constant dense<0.000000e+00> : vector<18x128xf32>
    %dot_general3A_28 = tpu.matmul %get3A_26, %max3A_11, %dot_general3A_27 {dimension_numbers = #tpu.dot_dimension_numbers<[1], [0], [0], [1], [0, 0, 1, 1], [], []>, transpose_lhs_hint = false} : vector<18x512xf32>, vector<512x128xf32>, vector<18x128xf32> -> vector<18x128xf32>
    %get3A_29 = arith.constant 0 : index
    %get3A_30 = arith.constant 0 : index
    %get3A_31 = vector.load %arg7[%get3A_29, %get3A_30] : memref<18x1xf32, #tpu.memory_space<vmem>>, vector<18x1xf32>
    %add3A_32 = vector.broadcast %get3A_31 : vector<18x1xf32> to vector<18x128xf32>
    %add3A_33 = arith.addf %dot_general3A_28, %add3A_32 : vector<18x128xf32>
    %swap3A_34 = arith.constant 0 : index
    %swap3A_35 = arith.constant 0 : index
    %swap3A_36 = vector.load %arg9[%swap3A_34, %swap3A_35] : memref<18x128xf32, #tpu.memory_space<vmem>>, vector<18x128xf32>
    tpu.vector_store %arg9[%swap3A_34, %swap3A_35], %add3A_33 {strides = array<i32>} : memref<18x128xf32, #tpu.memory_space<vmem>>, vector<18x128xf32>,
    return
  }
  func.func @transform_0(%arg0: i32) -> (i32, i32) {
    %c0_i32 = arith.constant 0 : i32
    %c0_i32_0 = arith.constant 0 : i32
    return %c0_i32, %arg0 : i32, i32
  }
  func.func @transform_1(%arg0: i32) -> (i32, i32) {
    %c0_i32 = arith.constant 0 : i32
    %c0_i32_0 = arith.constant 0 : i32
    %c0_i32_1 = arith.constant 0 : i32
    return %c0_i32, %c0_i32_0 : i32, i32
  }
  func.func @transform_2(%arg0: i32) -> (i32, i32) {
    %c0_i32 = arith.constant 0 : i32
    %c0_i32_0 = arith.constant 0 : i32
    %c0_i32_1 = arith.constant 0 : i32
    return %c0_i32, %c0_i32_0 : i32, i32
  }
  func.func @transform_3(%arg0: i32) -> (i32, i32) {
    %c0_i32 = arith.constant 0 : i32
    %c0_i32_0 = arith.constant 0 : i32
    %c0_i32_1 = arith.constant 0 : i32
    return %c0_i32, %c0_i32_0 : i32, i32
  }
  func.func @transform_4(%arg0: i32) -> (i32, i32) {
    %c0_i32 = arith.constant 0 : i32
    %c0_i32_0 = arith.constant 0 : i32
    %c0_i32_1 = arith.constant 0 : i32
    return %c0_i32, %c0_i32_0 : i32, i32
  }
  func.func @transform_5(%arg0: i32) -> (i32, i32) {
    %c0_i32 = arith.constant 0 : i32
    %c0_i32_0 = arith.constant 0 : i32
    %c0_i32_1 = arith.constant 0 : i32
    return %c0_i32, %c0_i32_0 : i32, i32
  }
  func.func @transform_6(%arg0: i32) -> (i32, i32) {
    %c0_i32 = arith.constant 0 : i32
    %c0_i32_0 = arith.constant 0 : i32
    %c0_i32_1 = arith.constant 0 : i32
    return %c0_i32, %c0_i32_0 : i32, i32
  }
  func.func @transform_7(%arg0: i32) -> (i32, i32) {
    %c0_i32 = arith.constant 0 : i32
    %c0_i32_0 = arith.constant 0 : i32
    return %c0_i32, %arg0 : i32, i32
  }
  func.func @transform_8(%arg0: i32) -> (i32, i32) {
    %c0_i32 = arith.constant 0 : i32
    %c0_i32_0 = arith.constant 0 : i32
    return %c0_i32, %arg0 : i32, i32
  }
}

</mosaic_0001>

<sc_bundles>
// kernel: gather_offload_async_start.1
scs
__scs_entry_jumppad:
0x0: {  	(pc) =	sbr.rel $0x88, $3  }
0x1: {  	(tag) =	ssettag $0x0;
	lr =	simm.s32 $0x1  }
0x2: {  	[smem:$0x3F98] =	sst lr;
	_ =	strace $0xD0000000  }
0x3: {  	_ = 	snop  }
0x4: {  	_ = 	snop  }
0x5: {  	_ = 	snop  }
0x6: {  	_ = 	snop  }
0x7: {  	_ = 	snop  }
__scs_overlays_trampoline_lowered:
0x8: {  	[smem:$0x3FA7] =	sst s0  }
0x9: {  	[smem:$0x3FA8] =	sst s1  }
0xa: {  	[smem:$0x3FA9] =	sst s2  }
0xb: {  	[smem:$0x3FAA] =	sst s3  }
0xc: {  	[smem:$0x3FAB] =	sst s4  }
0xd: {  	[smem:$0x3FAC] =	sst s5  }
0xe: {  	[smem:$0x3FAD] =	sst s6  }
0xf: {  	[smem:$0x3FAE] =	sst s7  }
0x10: {  	[smem:$0x3FAF] =	sst s8  }
0x11: {  	[smem:$0x3FB0] =	sst s9;
	s0 =	simm.s32 @!p0 $0x0  }
0x12: {  	s1 =	sld [smem:$0x3F96];
	s0 =	simm.s32 @p0 $0x1  }
0x13: {  	[smem:$0x3FB1] =	sst s0;
	s0 =	simm.s32 @!p1 $0x0  }
0x14: {  	s2 =	sld [smem:$0x3F95];
	s0 =	simm.s32 @p1 $0x1  }
0x15: {  	[smem:$0x3FB2] =	sst s0;
	s0 =	simm.s32 @!p2 $0x0  }
0x16: {  	s3 =	sld [smem:$0x3FDB];
	s0 =	simm.s32 @p2 $0x1  }
0x17: {  	s4 =	simm.s32 $0x1BF5;
	[smem:$0x3FB4] =	sst s0  }
0x18: {  	s0 =	sld [smem:$0x3F97];
	_ =	swait.ge [sflag:s4], $0x0  }
0x19: {  	s7 =	sld [smem:$0x3F98]  }
0x1a: {  	s8 =	sadd.s32 $0xFFFFE003, lr  }
0x1b: {  	s9 =	sadd.s32 $0xFFFFFEF7, lr;
	s5 =	simm.s32 $0xFFFFFFFF;
	p2 =	slt.u32 s8, $0xFFFFF086  }
0x1c: {  	p1 =	slt.u32 s9, $0xF7A;
	s5 =	simm.s32 @!p2 $0x0  }
0x1d: {  	s5 =	simm.s32 @p1 $0x1;
	p0 =	seq.s32 s7, s2  }
0x1e: {  	s7 =	smul.u32 @!p0 $0xF7A, s2;
	p2 =	seq.s32 @!p0 s5, $0x0  }
0x1f: {  	s9 =	smul.u32 $0xF7A, s1;
	s8 =	simm.s32 @!p0 $0x1BF5;
	p2 =	por !p2, p0  }
0x20: {  	[sflag:s8] =	ssyncset.s32 @!p0 $0xFFFFF086;
	s6 =	sadd.s32 @!p0 s3, s7;
	s7 =	simm.s32 @!p0 $0x108  }
0x21: {  	s3 =	sadd.s32 s3, s9;
	s6 =	sadd.s32 @!p0 $0x88, s6;
	s7 =	simm.s32 @p2 $0x1082  }
0x22: {  	[simem:s7], [sflag:s8] =	dma.local @!p0 [hbm:s6], $0xF7A  }
0x23: {  	s9 =	sor.u32 $0xD0000000, s2;
	s6 =	simm.s32 $0x108;
	_ =	swait.ge @!p0 [sflag:s8], $0x0  }
0x24: {  	s3 =	sadd.s32 $0x88, s3;
	s6 =	simm.s32 @!p1 $0x1082;
	[sflag:s4] =	ssyncset.s32 $0xFFFFF086  }
0x25: {  	[simem:s6], [sflag:s4] =	dma.local [hbm:s3], $0xF7A  }
0x26: {  	[smem:$0x3F98] =	sst s1;
	(tag) =	ssettag s2;
	_ =	strace s9  }
0x27: {  	s1 =	sld [smem:$0x3FA8]  }
0x28: {  	s2 =	sld [smem:$0x3FA9]  }
0x29: {  	s4 =	sld [smem:$0x3FAB]  }
0x2a: {  	p0 =	seq.s32 s5, $0x0;
	s5 =	sld [smem:$0x3FAC]  }
0x2b: {  	s6 =	sld [smem:$0x3FAD]  }
0x2c: {  	s7 =	sld [smem:$0x3FAE]  }
0x2d: {  	s3 =	simm.s32 $0x108;
	s8 =	sld [smem:$0x3FAF]  }
0x2e: {  	s3 =	simm.s32 @!p0 $0x1082;
	s9 =	sld [smem:$0x3FB0]  }
0x2f: {  	lr =	sadd.s32 s0, s3;
	s0 =	sld [smem:$0x3FA7]  }
0x30: {  	s3 =	sld [smem:$0x3FAA]  }
0x31: {  	[smem:$0x3FB3] =	sst s10  }
0x32: {  	s10 =	sld [smem:$0x3FB1];
	_ =	sdelay $0x3  }
0x33: {  	p0 =	seq.s32 s10, $0x1;
	s10 =	sld [smem:$0x3FB3];
	_ =	sdelay $0x3  }
0x34: {  	[smem:$0x3FB3] =	sst s10  }
0x35: {  	s10 =	sld [smem:$0x3FB2];
	_ =	sdelay $0x3  }
0x36: {  	p1 =	seq.s32 s10, $0x1;
	s10 =	sld [smem:$0x3FB3];
	_ =	sdelay $0x3  }
0x37: {  	[smem:$0x3FB3] =	sst s10  }
0x38: {  	s10 =	sld [smem:$0x3FB4]  }
0x39: {  	_ = 	snop;
	(pc) =	sbr.ind lr, $3  }
0x3a: {  	_ = 	snop  }
0x3b: {  	_ = 	snop  }
0x3c: {  	p2 =	seq.s32 s10, $0x1;
	s10 =	sld [smem:$0x3FB3]  }
0x3d: {  	_ =	shalt  }
0x3e: {  	_ =	shalt  }
0x3f: {  	_ =	shalt  }
0x40: {  	_ =	shalt  }
0x41: {  	_ =	shalt  }
0x42: {  	_ =	shalt  }
0x43: {  	_ =	shalt  }
0x44: {  	_ =	shalt  }
0x45: {  	_ =	shalt  }
0x46: {  	_ =	shalt  }
0x47: {  	_ =	shalt  }
0x48: {  	_ =	shalt  }
0x49: {  	_ =	shalt  }
0x4a: {  	_ =	shalt  }
0x4b: {  	_ =	shalt  }
0x4c: {  	_ =	shalt  }
0x4d: {  	_ =	shalt  }
0x4e: {  	_ =	shalt  }
0x4f: {  	_ =	shalt  }
0x50: {  	_ =	shalt  }
0x51: {  	_ =	shalt  }
0x52: {  	_ =	shalt  }
0x53: {  	_ =	shalt  }
0x54: {  	_ =	shalt  }
0x55: {  	_ =	shalt  }
0x56: {  	_ =	shalt  }
0x57: {  	_ =	shalt  }
0x58: {  	_ =	shalt  }
0x59: {  	_ =	shalt  }
0x5a: {  	_ =	shalt  }
0x5b: {  	_ =	shalt  }
0x5c: {  	_ =	shalt  }
0x5d: {  	_ =	shalt  }
0x5e: {  	_ =	shalt  }
0x5f: {  	_ =	shalt  }
0x60: {  	_ =	shalt  }
0x61: {  	_ =	shalt  }
0x62: {  	_ =	shalt  }
0x63: {  	_ =	shalt  }
0x64: {  	_ =	shalt  }
0x65: {  	_ =	shalt  }
0x66: {  	_ =	shalt  }
0x67: {  	_ =	shalt  }
0x68: {  	_ =	shalt  }
0x69: {  	_ =	shalt  }
0x6a: {  	_ =	shalt  }
0x6b: {  	_ =	shalt  }
0x6c: {  	_ =	shalt  }
0x6d: {  	_ =	shalt  }
0x6e: {  	_ =	shalt  }
0x6f: {  	_ =	shalt  }
0x70: {  	_ =	shalt  }
0x71: {  	_ =	shalt  }
0x72: {  	_ =	shalt  }
0x73: {  	_ =	shalt  }
0x74: {  	_ =	shalt  }
0x75: {  	_ =	shalt  }
0x76: {  	_ =	shalt  }
0x77: {  	_ =	shalt  }
0x78: {  	_ =	shalt  }
0x79: {  	_ =	shalt  }
0x7a: {  	_ =	shalt  }
0x7b: {  	_ =	shalt  }
0x7c: {  	_ =	shalt  }
0x7d: {  	_ =	shalt  }
0x7e: {  	_ =	shalt  }
0x7f: {  	_ =	shalt  }
0x80: {  	_ =	shalt  }
0x81: {  	_ =	shalt  }
0x82: {  	_ =	shalt  }
0x83: {  	_ =	shalt  }
0x84: {  	_ =	shalt  }
0x85: {  	_ =	shalt  }
0x86: {  	_ =	shalt  }
0x87: {  	_ =	shalt  }
.Lfunc_end0:
.L_simem_size_0:
called_computation.2_lowered:
.L_overlay_start_0:
0x88: {  	s0 =	sld [smem:$0x3FD9]  }
0x89: {  	s1 =	sld [smem:$0x3FFE];
	_ =	sdelay $0x3  }
0x8a: {  	s0 =	sadd.s32 s1, s0  }
0x8b: {  	[smem:$0x3FBF] =	sst s0  }
0x8c: {  	_ = 	snop  }
0x8d: {  	s0 =	sld [smem:$0x3FD0];
	_ =	sdelay $0x2  }
0x8e: {  	s14 =	simm.s32 $0xC;
	s2 =	simm.s32 $0x10  }
0x8f: {  	[smem:s2], [sflag:s14] =	dma.local [hbm:s0], $0x1  }
0x90: {  	_ =	swait.eq [sflag:s14], $0x1  }
0x91: {  	s15 =	sld [smem:$0x11];
	[sflag:s14] =	ssyncset.done $0x0  }
0x92: {  	s16 =	sld [smem:$0x12];
	[sflag:s14] =	ssyncadd.s32 $0xFFFFFFFF  }
0x93: {  	s17 =	sld [smem:$0x13];
	(tm) =	ssettm $0x1  }
0x94: {  	s3 =	sld [smem:$0x3FFB];
	_ =	sdelay $0x3  }
0x95: {  	_ =	strace s3  }
0x96: {  	s3 =	sld [smem:$0x3FFC];
	_ =	sdelay $0x3  }
0x97: {  	_ =	strace s3  }
0x98: {  	s3 =	sld [smem:$0x3FFD];
	_ =	sdelay $0x3  }
0x99: {  	_ =	strace s3  }
0x9a: {  	_ =	strace $0x8FFFFFFF  }
0x9b: {  	s18 =	sld [smem:$0x3FDB];
	_ =	sdelay $0x1  }
0x9c: {  	s4 =	simm.s32 $_scs_section_size  }
0x9d: {  	s5 =	simm.s32 $_size__tile_overlayer_lowered;
	s6 =	simm.s32 $_tile_overlayer_lowered  }
0x9e: {  	s21 =	simm.s32 $0x1BFF;
	s20 =	sshll.u32 s6, $0x1;
	s3 =	sadd.s32 s4, s18  }
0x9f: {  	s7 =	simm.s32 $0x0;
	s19 =	sshll.u32 s5, $0x1;
	s5 =	sadd.s32 s20, s3  }
0xa0: {  	[timem:s7], [sflag:s21] =	dma.local [hbm:s5], s19  }
0xa1: {  	_ =	swait.ge [sflag:s21], s19  }
0xa2: {  	s4 =	ssub.s32 $0x0, s19;
	[sflag:s21] =	ssyncset.done $0x0  }
0xa3: {  	[sflag:s21] =	ssyncadd.s32 s4;
	_ =	sdelay $0x1  }
0xa4: {  	s22 =	simm.s32 $0x1B8B  }
0xa5: {  	_ =	swait.ge [sflag:s22], $0x1  }
0xa6: {  	[sflag:s22] =	ssyncset.done $0x0  }
0xa7: {  	s23 =	simm.s32 $0x1B8E;
	[sflag:s22] =	ssyncadd.s32 $0xFFFFFFFF  }
0xa8: {  	s24 =	simm.s32 $execute0_lowered;
	[smem:$0x3FD2] =	sst s23  }
0xa9: {  	s4 =	sshll.u32 s24, $0x1;
	_ =	strace $0x80000046;
	[dreg:$0x1] =	wrdreg $0xFFFFFFFF  }
0xaa: {  	s25 =	simm.s32 $_size_execute0_lowered;
	s3 =	sadd.s32 s3, s4;
	[dreg:$0x0] =	wrdreg $0x0  }
0xab: {  	s4 =	sshll.u32 s25, $0x1;
	[dreg:$0x2] =	wrdreg s3  }
0xac: {  	[dreg:$0x3] =	wrdreg s4  }
0xad: {  	[dreg:$0x4] =	wrdreg $0xC0  }
0xae: {  	_ =	task [dreg:s7], $0x5FFFF  }
0xaf: {  	[dreg:$0x1] =	wrdreg $0xFFFFFFFF  }
0xb0: {  	[dreg:$0x0] =	wrdreg $0x60  }
0xb1: {  	[dreg:$0x2] =	wrdreg s16  }
0xb2: {  	[dreg:$0x3] =	wrdreg s15  }
0xb3: {  	[dreg:$0x4] =	wrdreg s17  }
0xb4: {  	[dreg:$0x5] =	wrdreg $0xB  }
0xb5: {  	_ =	task.clear_ibuf [dreg:s7], $0x6FFFF;
	_ =	strace $0x90000046  }
0xb6: {  	s26 =	simm.s32 $0xB;
	_ =	strace $0x80000048  }
0xb7: {  	_ =	swait.ge [sflag:s26], $0x1  }
0xb8: {  	[sflag:s26] =	ssyncadd.s32 $0xFFFFFFFF  }
0xb9: {  	_ =	strace $0x90000048  }
0xba: {  	_ =	sfence  }
0xbb: {  	s28 =	sld [smem:$0x0];
	_ =	sdelay $0x1  }
0xbc: {  	s29 =	srdreg.scid  }
0xbd: {  	s30 =	sshll.u32 s29, $0xD;
	s31 =	sshrl.u32 s29, $0x2  }
0xbe: {  	s1 =	sand.u32 $0x1, s29;
	s2 =	sand.u32 $0x4000, s30;
	s0 =	sadd.s32 s31, s28  }
0xbf: {  	s1 =	sor.u32 s2, s1;
	s0 =	sshll.u32 s0, $0x11  }
0xc0: {  	s0 =	sor.u32 s0, s1  }
0xc1: {  	s0 =	sadd.s32 $0x8F2B, s0  }
0xc2: {  	[sflag:s0] =	ssyncadd.remote.s32 $0x1  }
0xc3: {  	_ =	sfence.sel $0xFFFF  }
0xc4: {  	[dreg:$0x0] =	wrdreg $0xFFFFFFFF;
	(pc) =	sbr.abs _section_cstart, $3  }
0xc5: {  	[dreg:$0x1] =	wrdreg $0xFFFFFFFF  }
0xc6: {  	_ =	task.clear_ibuf [dreg:s7], $0x2FFFF;
	_ =	strace $0x9FFFFFFF  }
0xc7: {  	(tm) =	ssettm $0x7FFFFFFF  }
tec
execute0_lowered:
.L_overlay_start_1:
0x0: {  	(tag) =	ssettag $0x1  }
0x1: {  	s0 =	stileid.u32  }
0x2: {  	s4 =	simm.s32 $0x400;
	s3 =	rddreg [dreg:$0x0];
	s1 =	smin.u32 s0, $0x8  }
0x3: {  	s6 =	rddreg [dreg:$0x2];
	p0 =	slt.u32 s0, $0x8;
	s1 =	sadd.s32 s0, s1  }
0x4: {  	s10 =	simm.s32 $0x1;
	s4 =	simm.s32 @!p0 $0x200;
	s2 =	sshll.u32 s1, $0x9  }
0x5: {  	s7 =	simm.s32 $0x2;
	s11 =	simm.s32 $0x4;
	s1 =	sadd.s32 s4, s2  }
0x6: {  	s12 =	simm.s32 $0xFFFFF800;
	s13 =	simm.s32 $0xFFFFFE00;
	s5 =	smin.u32 s1, $0x2EE0  }
0x7: {  	s14 =	simm.s32 $0xFFFFFFFF;
	s18 =	simm.s32 $0x0;
	s9 =	ssub.s32 s5, s2  }
0x8: {  	s15 =	simm.s32 $0x0;
	s4 =	rddreg [dreg:$0x1];
	p0 =	sgt.s32 s9, $0x0  }
0x9: {  	s1 =	rddreg [dreg:$0x3];
	_ =	strace $0x80000047;
	s9 =	simm.s32 @!p0 $0x0  }
.Ltmp0:
0xa: {  	[sflag:s10] =	ssyncpa.u1 $0x0;
	s8 =	sand.u32 $0xE0, s9;
	(pc) =	sbr.rel .LBB2_1-.Ltmp0, $4  }
0xb: {  	s17 =	simm.s32 $0x0;
	[sflag:s7] =	ssyncpa.u1 $0x0;
	p0 =	sne.s32 s8, $0x0  }
0xc: {  	s9 =	sshrl.u32 s9, $0x9;
	s8 =	simm.s32 $0x3;
	s10 =	simm.s32 @!p0 $0x0  }
0xd: {  	s16 =	smov.u32 s2;
	[sflag:s8] =	ssyncpa.u1 $0x0;
	s9 =	sadd.s32 s10, s9  }
0xe: {  	v0 =	vlaneseq.u32;
	vm0 =	vmmov $0xffff;
	[sflag:s11] =	ssyncpa.u1 $0x0;
	s11 =	simm.s32 $0x0;
	s10 =	sadd.s32 $0x2, s9  }
.LBB2_7:
0xf: {  	p0 =	slt.u32 s17, $0x3  }
0x10: {  	s18 =	simm.s32 @!p0 $0x4  }
0x11: {  	_ =	swait.ge @!p0 [sflag:s18], $0x80  }
0x12: {  	s19 =	sadd.s32 $0x200, s16;
	[sflag:s18] =	ssyncset.done @!p0 $0x0  }
0x13: {  	s20 =	smov.u32 s2;
	[sflag:s18] =	ssyncadd.s32 @!p0 $0xFFFFFF80;
	p0 =	slt.s32 s19, s5  }
0x14: {  	s20 =	smov.u32 @p0 s19;
	p0 =	sne.s32 s17, s10  }
.Ltmp1:
0x15: {  	_ = 	snop;
	(pc) =	sbr.rel @!p0 .LBB2_8-.Ltmp1, $4  }
0x16: {  	_ = 	snop  }
0x17: {  	s31 =	sadd.s32 $0x1, s17;
	s12 =	sadd.s32 $0x800, s12  }
0x18: {  	s13 =	sadd.s32 $0x200, s13;
	s14 =	sadd.s32 $0x1, s14;
	s18 =	smov.u32 s15  }
0x19: {  	s15 =	smov.u32 s16;
	s17 =	smov.u32 s31;
	s16 =	smov.u32 s20  }
.LBB2_1:
0x1a: {  	p0 =	sge.u32 s17, s9  }
0x1b: {  	s19 =	smulhi.u32 @!p0 $0xAAAAAAAB, s17;
	_ =	sdelay $0x1  }
0x1c: {  	s19 =	sshrl.u32 @!p0 s19, $0x1  }
0x1d: {  	s19 =	smul.u32 @!p0 $0x3, s19;
	_ =	sdelay $0x1  }
0x1e: {  	s31 =	sadd.s32 $0xFFFFFFFF, s17;
	s20 =	sshrl.u32 @!p0 s16, $0x3;
	s19 =	ssub.s32 @!p0 s17, s19  }
0x1f: {  	s21 =	sand.u32 @!p0 $0x7, s16;
	s20 =	sadd.s32 @!p0 s4, s20;
	s19 =	sshll.u32 @!p0 s19, $0x9  }
0x20: {  	[tilespmem:s19], [sflag:$0x2] =	stream.linear.gather @!p0 [hbm4b:s20+s21], $0x200, $0x38;
	[tilespmem:$0xB00] =	vst v63  }
0x21: {  	p0 =	sge.u32 s31, s9  }
.Ltmp2:
0x22: {  	_ = 	snop;
	(pc) =	sbr.rel @p0 .LBB2_5-.Ltmp2, $1  }
0x23: {  	_ =	sdelay $0x3  }
0x24: {  	s19 =	smulhi.u32 $0xAAAAAAAB, s14;
	_ =	sdelay $0x1  }
0x25: {  	s19 =	sshrl.u32 s19, $0x1  }
0x26: {  	s19 =	smul.u32 $0xFFFFE800, s19;
	_ =	sdelay $0x1  }
0x27: {  	_ =	swait.ge [sflag:s7], $0x200;
	s19 =	sshra.s32 s19, $0x2  }
0x28: {  	[sflag:s7] =	ssyncset.done $0x0;
	s20 =	sadd.s32 s19, s13  }
0x29: {  	[sflag:s7] =	ssyncadd.s32 $0xFFFFFE00;
	(ifvalue) =	ssetifvalue $0x7FFFFFFF;
	v1 =	vld.msk [tilespmem:s20+$0x0 ss:$0x1], $0xffff  }
0x2a: {  	s21 =	sadd.s32 $0x10, s20  }
0x2b: {  	v2 =	vld.msk [tilespmem:s21+$0x0 ss:$0x1], $0xffff;
	_ =	sdelay $0x1  }
0x2c: {  	s19 =	ssub.s32 $0x2EE0, s15  }
0x2d: {  	p0 =	slt.s32 s19, $0x200;
	vm1 =	vgt.s32 v1, $0x0  }
0x2e: {  	s19 =	simm.s32 @!p0 $0x200;
	v1 =	vnsel vm1, $0x0, v1  }
0x2f: {  	p0 =	sgt.s32 s19, $0x0;
	s22 =	smov.u32 s19;
	vm1 =	vgt.s32 v2, $0x0;
	v1 =	vmin.u32 v1, $0x57E3  }
0x30: {  	s22 =	simm.s32 @!p0 $0x0;
	v2 =	vnsel vm1, $0x0, v2;
	v4 =	vshll.u32 v1, $0x2  }
0x31: {  	s22 =	smin.u32 s22, $0x10;
	v3 =	vshrl.u32 v1, $0x7;
	v1 =	vand.u32 $0x7E00, v1;
	v4 =	vand.u32 $0x1FC, v4  }
0x32: {  	v5 =	vmin.u32 v2, $0x57E3;
	v2 =	vmov s22;
	v1 =	vor.u32 v1, v4  }
0x33: {  	vm1 =	vgt.u32 v2, v0;
	v1 =	vshrl.u32 v1, $0x2  }
0x34: {  	s30 =	sshrl.u32 s12, $0x2;
	s23 =	sadd.s32 $0xFFFFFFF0, s19;
	v1 =	vnsel vm1, $0x7FFFFFFF, v1  }
0x35: {  	s19 =	sadd.s32 $0x10, s21;
	p0 =	sgt.s32 s23, $0x0;
	s25 =	smov.u32 s23;
	v3 =	vand.u32 $0x3, v3  }
0x36: {  	s31 =	sand.u32 $0x200, s30;
	s25 =	simm.s32 @!p0 $0x0;
	v2 =	vld.msk [tilespmem:s19+$0x0 ss:$0x1], $0xffff;
	v4 =	vshrl.u32 v5, $0x7;
	[tilespmem:s20+$0x0] =	vst v3;
	v3 =	vshll.u32 v5, $0x2  }
0x37: {  	s24 =	simm.s32 $0x30;
	s25 =	smin.u32 s25, $0x10;
	s22 =	sadd.s32 $0x600, s31;
	v5 =	vand.u32 $0x7E00, v5;
	v4 =	vand.u32 $0x3, v4;
	v6 =	vand.u32 $0x1FC, v3  }
0x38: {  	s20 =	sadd.s32 $0x10, s19;
	v3 =	vmov s25;
	[tilespmem:s21+$0x0] =	vst v4;
	v4 =	vor.u32 v5, v6;
	(ifvalue) =	ssetifvalue $0x7FFFFFFF;
	s21 =	sadd.s32 $0x10, s22  }
.LBB2_3:
0x39: {  	[tilespmem:s22], [sflag:$0x3] =	stream.indirect_vreg.gather [hbm4b:s3+s11], $0x1, v1, vm0, $0x4038;
	[tilespmem:$0xB00] =	vst v63  }
0x3a: {  	s24 =	sadd.s32 $0x10, s24  }
0x3b: {  	vm1 =	vgt.s32 v2, $0x0;
	vm2 =	vgt.u32 v3, v0;
	v3 =	vshrl.u32 v4, $0x2;
	v1 =	vmovc v2;
	v2 =	vld.msk [tilespmem:s20+$0x0 ss:$0x1], $0xffff;
	p0 =	slt.u32 s24, $0x1F0  }
.Ltmp3:
0x3c: {  	s23 =	sadd.s32 $0xFFFFFFF0, s23;
	v4 =	vnsel vm1, $0x0, v1;
	v1 =	vnsel vm2, $0x7FFFFFFF, v3;
	(pc) =	sbr.rel @p0 .LBB2_3-.Ltmp3, $4  }
0x3d: {  	s25 =	smov.u32 s19;
	p1 =	sgt.s32 s23, $0x0;
	s26 =	smov.u32 s23;
	v3 =	vmin.u32 v4, $0x57E3  }
0x3e: {  	s19 =	smov.u32 s20;
	s22 =	smov.u32 s21;
	s26 =	simm.s32 @!p1 $0x0;
	v4 =	vshrl.u32 v3, $0x7;
	v5 =	vshll.u32 v3, $0x2  }
0x3f: {  	s26 =	smin.u32 s26, $0x10;
	v6 =	vand.u32 $0x3, v4;
	v4 =	vand.u32 $0x7E00, v3;
	v5 =	vand.u32 $0x1FC, v5  }
0x40: {  	s20 =	sadd.s32 $0x10, s20;
	s21 =	sadd.s32 $0x10, s21;
	v3 =	vmov s26;
	v4 =	vor.u32 v4, v5;
	[tilespmem:s25+$0x0] =	vst v6;
	(ifvalue) =	ssetifvalue $0x7FFFFFFF  }
0x41: {  	v5 =	vld.msk [tilespmem:s20+$0x0 ss:$0x1], $0xffff;
	_ =	sdelay $0x1  }
0x42: {  	s23 =	sadd.s32 $0xFFFFFFF0, s23;
	vm1 =	vgt.s32 v2, $0x0  }
0x43: {  	p0 =	sgt.s32 s23, $0x0;
	s24 =	smov.u32 s23;
	v2 =	vnsel vm1, $0x0, v2;
	vm1 =	vgt.u32 v3, v0;
	v3 =	vshrl.u32 v4, $0x2  }
0x44: {  	s24 =	simm.s32 @!p0 $0x0;
	v2 =	vmin.u32 v2, $0x57E3;
	v3 =	vnsel vm1, $0x7FFFFFFF, v3  }
0x45: {  	s24 =	smin.u32 s24, $0x10;
	v60 =	vshll.u32 v2, $0x2;
	v7 =	vand.u32 $0x7E00, v2;
	vm1 =	vgt.s32 v5, $0x0  }
0x46: {  	s23 =	sadd.s32 $0xFFFFFFF0, s23;
	v2 =	vshrl.u32 v2, $0x7;
	v6 =	vmov s24;
	v5 =	vnsel vm1, $0x0, v5  }
0x47: {  	p0 =	sgt.s32 s23, $0x0;
	v4 =	vand.u32 $0x1FC, v60;
	v2 =	vand.u32 $0x3, v2;
	v5 =	vmin.u32 v5, $0x57E3  }
0x48: {  	s23 =	simm.s32 @!p0 $0x0;
	v4 =	vor.u32 v7, v4;
	vm1 =	vgt.u32 v6, v0;
	v61 =	vshll.u32 v5, $0x2  }
0x49: {  	s23 =	smin.u32 s23, $0x10;
	v4 =	vshrl.u32 v4, $0x2;
	v62 =	vand.u32 $0x7E00, v5;
	v6 =	vand.u32 $0x1FC, v61  }
0x4a: {  	v63 =	vmov s23;
	v4 =	vnsel vm1, $0x7FFFFFFF, v4;
	v6 =	vor.u32 v62, v6  }
0x4b: {  	[tilespmem:s22], [sflag:$0x3] =	stream.indirect_vreg.gather [hbm4b:s3+s11], $0x1, v1, vm0, $0x4038;
	[tilespmem:s19+$0x0] =	vst v2;
	vm1 =	vgt.u32 v63, v0;
	v2 =	vshrl.u32 v6, $0x2  }
0x4c: {  	(ifvalue) =	ssetifvalue $0x7FFFFFFF;
	v1 =	vshrl.u32 v5, $0x7;
	v2 =	vnsel vm1, $0x7FFFFFFF, v2  }
0x4d: {  	[tilespmem:s21], [sflag:$0x3] =	stream.indirect_vreg.gather [hbm4b:s3+s11], $0x1, v3, vm0, $0x4038;
	v1 =	vand.u32 $0x3, v1;
	[tilespmem:$0xB00] =	vst v63  }
0x4e: {  	s31 =	sadd.s32 $0x10, s21;
	[tilespmem:s20+$0x0] =	vst v1;
	(ifvalue) =	ssetifvalue $0x7FFFFFFF  }
0x4f: {  	[tilespmem:s31], [sflag:$0x3] =	stream.indirect_vreg.gather [hbm4b:s3+s11], $0x1, v4, vm0, $0x4038;
	[tilespmem:$0xB00] =	vst v63  }
0x50: {  	s19 =	sadd.s32 $0x10, s31;
	(ifvalue) =	ssetifvalue $0x7FFFFFFF  }
0x51: {  	[tilespmem:s19], [sflag:$0x3] =	stream.indirect_vreg.gather [hbm4b:s3+s11], $0x1, v2, vm0, $0x4038;
	[tilespmem:$0xB00] =	vst v63  }
.LBB2_5:
0x52: {  	p0 =	slt.u32 s17, $0x2  }
0x53: {  	p1 =	sge.u32 @!p0 s17, s10  }
0x54: {  	p0 =	por p0, p1  }
.Ltmp4:
0x55: {  	_ = 	snop;
	(pc) =	sbr.rel @p0 .LBB2_7-.Ltmp4, $1  }
0x56: {  	_ =	sdelay $0x3  }
0x57: {  	s19 =	sadd.s32 $0xFFFFFFFE, s17  }
0x58: {  	s20 =	smulhi.u32 $0xAAAAAAAB, s19  }
0x59: {  	_ =	swait.ge [sflag:s8], $0x200  }
0x5a: {  	s21 =	sand.u32 $0x1, s17;
	[sflag:s8] =	ssyncset.done $0x0;
	s20 =	sshrl.u32 s20, $0x1  }
0x5b: {  	s28 =	sshll.u32 s21, $0x9;
	[sflag:s8] =	ssyncadd.s32 $0xFFFFFE00;
	s20 =	smul.u32 $0x3, s20  }
0x5c: {  	v1 =	vld [tilespmem:s28+$0x600]  }
0x5d: {  	v3 =	vld [tilespmem:s28+$0x680];
	s20 =	ssub.s32 s19, s20  }
0x5e: {  	v6 =	vld [tilespmem:s28+$0x700];
	s20 =	sshll.u32 s20, $0x9  }
0x5f: {  	v2 =	vld [tilespmem:s20+$0x0]  }
0x60: {  	v4 =	vld [tilespmem:s20+$0x80]  }
0x61: {  	v5 =	vld [tilespmem:s20+$0x100]  }
0x62: {  	v7 =	vld [tilespmem:s20+$0x180];
	_ =	sdelay $0x1  }
0x63: {  	v8 =	vld [tilespmem:s28+$0x780]  }
0x64: {  	v2 =	vshll.u32 v2, $0x3;
	v4 =	vshll.u32 v4, $0x3  }
0x65: {  	v1 =	vshrl.u32 v1, v2;
	v2 =	vshrl.u32 v3, v4;
	v3 =	vshll.u32 v5, $0x3  }
0x66: {  	v21 =	vshll.u32 v7, $0x3;
	v2 =	vshll.u32 v2, $0x8;
	v3 =	vshrl.u32 v6, v3  }
0x67: {  	v1 =	vand.u32 $0xFF, v1;
	v2 =	vand.u32 $0xFF00, v2;
	v3 =	vshll.u32 v3, $0x10  }
0x68: {  	v1 =	vor.u32 v1, v2;
	v2 =	vand.u32 $0xFF0000, v3;
	v3 =	vshrl.u32 v8, v21  }
0x69: {  	v1 =	vor.u32 v2, v1;
	v2 =	vshll.u32 v3, $0x18  }
0x6a: {  	s21 =	sshll.u32 s21, $0x7;
	v1 =	vor.u32 v2, v1  }
0x6b: {  	[tilespmem:s21+$0xA00] =	vst v1  }
0x6c: {  	v1 =	vld [tilespmem:s28+$0x610]  }
0x6d: {  	v2 =	vld [tilespmem:s20+$0x10]  }
0x6e: {  	v3 =	vld [tilespmem:s28+$0x690]  }
0x6f: {  	v22 =	vld [tilespmem:s20+$0x90]  }
0x70: {  	v23 =	vld [tilespmem:s20+$0x110]  }
0x71: {  	v24 =	vld [tilespmem:s28+$0x710]  }
0x72: {  	v25 =	vld [tilespmem:s20+$0x190];
	_ =	sdelay $0x1  }
0x73: {  	v26 =	vld [tilespmem:s28+$0x790]  }
0x74: {  	v2 =	vshll.u32 v2, $0x3;
	v4 =	vshll.u32 v22, $0x3  }
0x75: {  	v1 =	vshrl.u32 v1, v2;
	v2 =	vshrl.u32 v3, v4;
	v3 =	vshll.u32 v23, $0x3  }
0x76: {  	v27 =	vshll.u32 v25, $0x3;
	v2 =	vshll.u32 v2, $0x8;
	v3 =	vshrl.u32 v24, v3  }
0x77: {  	v1 =	vand.u32 $0xFF, v1;
	v2 =	vand.u32 $0xFF00, v2;
	v3 =	vshll.u32 v3, $0x10  }
0x78: {  	v1 =	vor.u32 v1, v2;
	v2 =	vand.u32 $0xFF0000, v3;
	v3 =	vshrl.u32 v26, v27  }
0x79: {  	v1 =	vor.u32 v2, v1;
	v2 =	vshll.u32 v3, $0x18  }
0x7a: {  	v1 =	vor.u32 v2, v1  }
0x7b: {  	[tilespmem:s21+$0xA10] =	vst v1  }
0x7c: {  	v1 =	vld [tilespmem:s28+$0x620]  }
0x7d: {  	v2 =	vld [tilespmem:s20+$0x20]  }
0x7e: {  	v3 =	vld [tilespmem:s28+$0x6A0]  }
0x7f: {  	v28 =	vld [tilespmem:s20+$0xA0]  }
0x80: {  	v29 =	vld [tilespmem:s20+$0x120]  }
0x81: {  	v30 =	vld [tilespmem:s28+$0x720]  }
0x82: {  	v31 =	vld [tilespmem:s20+$0x1A0];
	_ =	sdelay $0x1  }
0x83: {  	v32 =	vld [tilespmem:s28+$0x7A0]  }
0x84: {  	v2 =	vshll.u32 v2, $0x3;
	v4 =	vshll.u32 v28, $0x3  }
0x85: {  	v1 =	vshrl.u32 v1, v2;
	v2 =	vshrl.u32 v3, v4;
	v3 =	vshll.u32 v29, $0x3  }
0x86: {  	v33 =	vshll.u32 v31, $0x3;
	v2 =	vshll.u32 v2, $0x8;
	v3 =	vshrl.u32 v30, v3  }
0x87: {  	v1 =	vand.u32 $0xFF, v1;
	v2 =	vand.u32 $0xFF00, v2;
	v3 =	vshll.u32 v3, $0x10  }
0x88: {  	v1 =	vor.u32 v1, v2;
	v2 =	vand.u32 $0xFF0000, v3;
	v3 =	vshrl.u32 v32, v33  }
0x89: {  	v1 =	vor.u32 v2, v1;
	v2 =	vshll.u32 v3, $0x18  }
0x8a: {  	v1 =	vor.u32 v2, v1  }
0x8b: {  	[tilespmem:s21+$0xA20] =	vst v1  }
0x8c: {  	v1 =	vld [tilespmem:s28+$0x630]  }
0x8d: {  	v2 =	vld [tilespmem:s20+$0x30]  }
0x8e: {  	v3 =	vld [tilespmem:s28+$0x6B0]  }
0x8f: {  	v34 =	vld [tilespmem:s20+$0xB0]  }
0x90: {  	v35 =	vld [tilespmem:s20+$0x130]  }
0x91: {  	v36 =	vld [tilespmem:s28+$0x730]  }
0x92: {  	v37 =	vld [tilespmem:s20+$0x1B0];
	_ =	sdelay $0x1  }
0x93: {  	v38 =	vld [tilespmem:s28+$0x7B0]  }
0x94: {  	v2 =	vshll.u32 v2, $0x3;
	v4 =	vshll.u32 v34, $0x3  }
0x95: {  	v1 =	vshrl.u32 v1, v2;
	v2 =	vshrl.u32 v3, v4;
	v3 =	vshll.u32 v35, $0x3  }
0x96: {  	v39 =	vshll.u32 v37, $0x3;
	v2 =	vshll.u32 v2, $0x8;
	v3 =	vshrl.u32 v36, v3  }
0x97: {  	v1 =	vand.u32 $0xFF, v1;
	v2 =	vand.u32 $0xFF00, v2;
	v3 =	vshll.u32 v3, $0x10  }
0x98: {  	v1 =	vor.u32 v1, v2;
	v2 =	vand.u32 $0xFF0000, v3;
	v3 =	vshrl.u32 v38, v39  }
0x99: {  	v1 =	vor.u32 v2, v1;
	v2 =	vshll.u32 v3, $0x18  }
0x9a: {  	v1 =	vor.u32 v2, v1  }
0x9b: {  	[tilespmem:s21+$0xA30] =	vst v1  }
0x9c: {  	v1 =	vld [tilespmem:s28+$0x640]  }
0x9d: {  	v2 =	vld [tilespmem:s20+$0x40]  }
0x9e: {  	v3 =	vld [tilespmem:s28+$0x6C0]  }
0x9f: {  	v40 =	vld [tilespmem:s20+$0xC0]  }
0xa0: {  	v41 =	vld [tilespmem:s20+$0x140]  }
0xa1: {  	v42 =	vld [tilespmem:s28+$0x740]  }
0xa2: {  	v43 =	vld [tilespmem:s20+$0x1C0];
	_ =	sdelay $0x1  }
0xa3: {  	v44 =	vld [tilespmem:s28+$0x7C0]  }
0xa4: {  	v2 =	vshll.u32 v2, $0x3;
	v4 =	vshll.u32 v40, $0x3  }
0xa5: {  	v1 =	vshrl.u32 v1, v2;
	v2 =	vshrl.u32 v3, v4;
	v3 =	vshll.u32 v41, $0x3  }
0xa6: {  	v45 =	vshll.u32 v43, $0x3;
	v2 =	vshll.u32 v2, $0x8;
	v3 =	vshrl.u32 v42, v3  }
0xa7: {  	v1 =	vand.u32 $0xFF, v1;
	v2 =	vand.u32 $0xFF00, v2;
	v3 =	vshll.u32 v3, $0x10  }
0xa8: {  	v1 =	vor.u32 v1, v2;
	v2 =	vand.u32 $0xFF0000, v3;
	v3 =	vshrl.u32 v44, v45  }
0xa9: {  	v1 =	vor.u32 v2, v1;
	v2 =	vshll.u32 v3, $0x18  }
0xaa: {  	v1 =	vor.u32 v2, v1  }
0xab: {  	[tilespmem:s21+$0xA40] =	vst v1  }
0xac: {  	v1 =	vld [tilespmem:s28+$0x650]  }
0xad: {  	v2 =	vld [tilespmem:s20+$0x50]  }
0xae: {  	v3 =	vld [tilespmem:s28+$0x6D0]  }
0xaf: {  	v46 =	vld [tilespmem:s20+$0xD0]  }
0xb0: {  	v47 =	vld [tilespmem:s20+$0x150]  }
0xb1: {  	v48 =	vld [tilespmem:s28+$0x750]  }
0xb2: {  	v49 =	vld [tilespmem:s20+$0x1D0];
	_ =	sdelay $0x1  }
0xb3: {  	v50 =	vld [tilespmem:s28+$0x7D0]  }
0xb4: {  	v2 =	vshll.u32 v2, $0x3;
	v4 =	vshll.u32 v46, $0x3  }
0xb5: {  	v1 =	vshrl.u32 v1, v2;
	v2 =	vshrl.u32 v3, v4;
	v3 =	vshll.u32 v47, $0x3  }
0xb6: {  	v51 =	vshll.u32 v49, $0x3;
	v2 =	vshll.u32 v2, $0x8;
	v3 =	vshrl.u32 v48, v3  }
0xb7: {  	v1 =	vand.u32 $0xFF, v1;
	v2 =	vand.u32 $0xFF00, v2;
	v3 =	vshll.u32 v3, $0x10  }
0xb8: {  	v1 =	vor.u32 v1, v2;
	v2 =	vand.u32 $0xFF0000, v3;
	v3 =	vshrl.u32 v50, v51  }
0xb9: {  	v1 =	vor.u32 v2, v1;
	v2 =	vshll.u32 v3, $0x18  }
0xba: {  	v1 =	vor.u32 v2, v1  }
0xbb: {  	[tilespmem:s21+$0xA50] =	vst v1  }
0xbc: {  	v1 =	vld [tilespmem:s28+$0x660]  }
0xbd: {  	v2 =	vld [tilespmem:s20+$0x60]  }
0xbe: {  	v3 =	vld [tilespmem:s28+$0x6E0]  }
0xbf: {  	v52 =	vld [tilespmem:s20+$0xE0]  }
0xc0: {  	v53 =	vld [tilespmem:s20+$0x160]  }
0xc1: {  	v54 =	vld [tilespmem:s28+$0x760]  }
0xc2: {  	v55 =	vld [tilespmem:s20+$0x1E0];
	_ =	sdelay $0x1  }
0xc3: {  	v56 =	vld [tilespmem:s28+$0x7E0]  }
0xc4: {  	v2 =	vshll.u32 v2, $0x3;
	v4 =	vshll.u32 v52, $0x3  }
0xc5: {  	v1 =	vshrl.u32 v1, v2;
	v2 =	vshrl.u32 v3, v4;
	v3 =	vshll.u32 v53, $0x3  }
0xc6: {  	v57 =	vshll.u32 v55, $0x3;
	v2 =	vshll.u32 v2, $0x8;
	v3 =	vshrl.u32 v54, v3  }
0xc7: {  	v1 =	vand.u32 $0xFF, v1;
	v2 =	vand.u32 $0xFF00, v2;
	v3 =	vshll.u32 v3, $0x10  }
0xc8: {  	v1 =	vor.u32 v1, v2;
	v2 =	vand.u32 $0xFF0000, v3;
	v3 =	vshrl.u32 v56, v57  }
0xc9: {  	v1 =	vor.u32 v2, v1;
	v2 =	vshll.u32 v3, $0x18  }
0xca: {  	v1 =	vor.u32 v2, v1  }
0xcb: {  	[tilespmem:s21+$0xA60] =	vst v1  }
0xcc: {  	v1 =	vld [tilespmem:s28+$0x670]  }
0xcd: {  	v2 =	vld [tilespmem:s20+$0x70]  }
0xce: {  	v3 =	vld [tilespmem:s28+$0x6F0]  }
0xcf: {  	v58 =	vld [tilespmem:s20+$0xF0]  }
0xd0: {  	v59 =	vld [tilespmem:s20+$0x170]  }
0xd1: {  	v60 =	vld [tilespmem:s28+$0x770]  }
0xd2: {  	v61 =	vld [tilespmem:s20+$0x1F0];
	_ =	sdelay $0x1  }
0xd3: {  	v62 =	vld [tilespmem:s28+$0x7F0]  }
0xd4: {  	v2 =	vshll.u32 v2, $0x3;
	v4 =	vshll.u32 v58, $0x3  }
0xd5: {  	v1 =	vshrl.u32 v1, v2;
	v2 =	vshrl.u32 v3, v4;
	v3 =	vshll.u32 v59, $0x3  }
0xd6: {  	v63 =	vshll.u32 v61, $0x3;
	v3 =	vshrl.u32 v60, v3;
	v2 =	vshll.u32 v2, $0x8  }
0xd7: {  	v1 =	vand.u32 $0xFF, v1;
	v2 =	vand.u32 $0xFF00, v2;
	v3 =	vshll.u32 v3, $0x10  }
.Ltmp5:
0xd8: {  	v1 =	vor.u32 v1, v2;
	v2 =	vshrl.u32 v62, v63;
	v3 =	vand.u32 $0xFF0000, v3;
	(pc) =	sbr.rel .LBB2_7-.Ltmp5, $4  }
0xd9: {  	v1 =	vor.u32 v3, v1;
	v2 =	vshll.u32 v2, $0x18  }
0xda: {  	s29 =	sshrl.u32 s18, $0x2;
	s30 =	sshrl.u32 s18, $0x5;
	v1 =	vor.u32 v2, v1  }
0xdb: {  	s18 =	sadd.s32 s30, s6;
	s31 =	sor.u32 $0xA00, s21;
	s19 =	sand.u32 $0x7, s29;
	[tilespmem:s21+$0xA70] =	vst v1  }
0xdc: {  	[hbm4b:s18+s19] =	stream.linear.scatter [tilespmem:s31], [sflag:$0x4], $0x80, $0x38;
	[tilespmem:$0xB00] =	vst v63  }
.LBB2_8:
0xdd: {  	_ =	sfence.sel $0x180000  }
0xde: {  	s2 =	simm.s32 $0x2;
	[bflag:$0x0] =	sbarrier.arrive $0xFFFF  }
0xdf: {  	s29 =	simm.s32 $0x3;
	[sflag:s2] =	ssyncpa.u1 $0x1  }
0xe0: {  	s30 =	simm.s32 $0x4;
	[sflag:s29] =	ssyncpa.u1 $0x1  }
0xe1: {  	s31 =	simm.s32 $0x1;
	[sflag:s30] =	ssyncpa.u1 $0x1  }
0xe2: {  	[sflag:s31] =	ssyncpa.u1 $0x1  }
0xe3: {  	p0 =	sne.s32 s0, $0x0;
	_ =	strace $0x90000047  }
0xe4: {  	s0 =	sadd.s32 @!p0 $0x100000, s1;
	[bflag:$0x2] =	sbarrier.arrive $0xFFFF  }
0xe5: {  	[sflag:s0] =	ssyncadd.tile.s32 @!p0 $0x1;
	_ =	shalt  }
.Lfunc_end2:
_tile_overlayer_lowered:
.L_overlay_start_2:
0xe6: {  	(tag) =	ssettag $0x2  }
0xe7: {  	s0 =	rddreg [dreg:$0x0];
	s2 =	stileid.u32  }
0xe8: {  	s1 =	rddreg [dreg:$0x1];
	p0 =	sne.s32 s2, $0x0  }
0xe9: {  	s3 =	rddreg [dreg:$0x2];
	[bflag:$0x3] =	sbarrier.arrive $0xFFFF;
	s2 =	simm.s32 @!p0 $0x1C01  }
0xea: {  	[timem:s3], [sflag:s2] =	dma.local @!p0 [hbm:s0], s1  }
0xeb: {  	s0 =	simm.s32 @!p0 $0x1  }
0xec: {  	_ =	swait.ge @!p0 [sflag:s0], s1  }
0xed: {  	s1 =	ssub.s32 @!p0 $0x0, s1;
	[sflag:s0] =	ssyncset.done @!p0 $0x0  }
0xee: {  	[sflag:s0] =	ssyncadd.s32 @!p0 s1  }
0xef: {  	[bflag:$0x3] =	sbarrier.arrive $0xFFFF  }
0xf0: {  	_ =	shalt  }

// kernel: gather_offload_async_start
scs
__scs_entry_jumppad:
0x0: {  	(pc) =	sbr.rel $0x88, $3  }
0x1: {  	(tag) =	ssettag $0x0;
	lr =	simm.s32 $0x1  }
0x2: {  	[smem:$0x3F98] =	sst lr;
	_ =	strace $0xD0000000  }
0x3: {  	_ = 	snop  }
0x4: {  	_ = 	snop  }
0x5: {  	_ = 	snop  }
0x6: {  	_ = 	snop  }
0x7: {  	_ = 	snop  }
__scs_overlays_trampoline_lowered:
0x8: {  	[smem:$0x3FA7] =	sst s0  }
0x9: {  	[smem:$0x3FA8] =	sst s1  }
0xa: {  	[smem:$0x3FA9] =	sst s2  }
0xb: {  	[smem:$0x3FAA] =	sst s3  }
0xc: {  	[smem:$0x3FAB] =	sst s4  }
0xd: {  	[smem:$0x3FAC] =	sst s5  }
0xe: {  	[smem:$0x3FAD] =	sst s6  }
0xf: {  	[smem:$0x3FAE] =	sst s7  }
0x10: {  	[smem:$0x3FAF] =	sst s8  }
0x11: {  	[smem:$0x3FB0] =	sst s9;
	s0 =	simm.s32 @!p0 $0x0  }
0x12: {  	s1 =	sld [smem:$0x3F96];
	s0 =	simm.s32 @p0 $0x1  }
0x13: {  	[smem:$0x3FB1] =	sst s0;
	s0 =	simm.s32 @!p1 $0x0  }
0x14: {  	s2 =	sld [smem:$0x3F95];
	s0 =	simm.s32 @p1 $0x1  }
0x15: {  	[smem:$0x3FB2] =	sst s0;
	s0 =	simm.s32 @!p2 $0x0  }
0x16: {  	s3 =	sld [smem:$0x3FDB];
	s0 =	simm.s32 @p2 $0x1  }
0x17: {  	s4 =	simm.s32 $0x1BF5;
	[smem:$0x3FB4] =	sst s0  }
0x18: {  	s0 =	sld [smem:$0x3F97];
	_ =	swait.ge [sflag:s4], $0x0  }
0x19: {  	s7 =	sld [smem:$0x3F98]  }
0x1a: {  	s8 =	sadd.s32 $0xFFFFE003, lr  }
0x1b: {  	s9 =	sadd.s32 $0xFFFFFEF7, lr;
	s5 =	simm.s32 $0xFFFFFFFF;
	p2 =	slt.u32 s8, $0xFFFFF086  }
0x1c: {  	p1 =	slt.u32 s9, $0xF7A;
	s5 =	simm.s32 @!p2 $0x0  }
0x1d: {  	s5 =	simm.s32 @p1 $0x1;
	p0 =	seq.s32 s7, s2  }
0x1e: {  	s7 =	smul.u32 @!p0 $0xF7A, s2;
	p2 =	seq.s32 @!p0 s5, $0x0  }
0x1f: {  	s9 =	smul.u32 $0xF7A, s1;
	s8 =	simm.s32 @!p0 $0x1BF5;
	p2 =	por !p2, p0  }
0x20: {  	[sflag:s8] =	ssyncset.s32 @!p0 $0xFFFFF086;
	s6 =	sadd.s32 @!p0 s3, s7;
	s7 =	simm.s32 @!p0 $0x108  }
0x21: {  	s3 =	sadd.s32 s3, s9;
	s6 =	sadd.s32 @!p0 $0x88, s6;
	s7 =	simm.s32 @p2 $0x1082  }
0x22: {  	[simem:s7], [sflag:s8] =	dma.local @!p0 [hbm:s6], $0xF7A  }
0x23: {  	s9 =	sor.u32 $0xD0000000, s2;
	s6 =	simm.s32 $0x108;
	_ =	swait.ge @!p0 [sflag:s8], $0x0  }
0x24: {  	s3 =	sadd.s32 $0x88, s3;
	s6 =	simm.s32 @!p1 $0x1082;
	[sflag:s4] =	ssyncset.s32 $0xFFFFF086  }
0x25: {  	[simem:s6], [sflag:s4] =	dma.local [hbm:s3], $0xF7A  }
0x26: {  	[smem:$0x3F98] =	sst s1;
	(tag) =	ssettag s2;
	_ =	strace s9  }
0x27: {  	s1 =	sld [smem:$0x3FA8]  }
0x28: {  	s2 =	sld [smem:$0x3FA9]  }
0x29: {  	s4 =	sld [smem:$0x3FAB]  }
0x2a: {  	p0 =	seq.s32 s5, $0x0;
	s5 =	sld [smem:$0x3FAC]  }
0x2b: {  	s6 =	sld [smem:$0x3FAD]  }
0x2c: {  	s7 =	sld [smem:$0x3FAE]  }
0x2d: {  	s3 =	simm.s32 $0x108;
	s8 =	sld [smem:$0x3FAF]  }
0x2e: {  	s3 =	simm.s32 @!p0 $0x1082;
	s9 =	sld [smem:$0x3FB0]  }
0x2f: {  	lr =	sadd.s32 s0, s3;
	s0 =	sld [smem:$0x3FA7]  }
0x30: {  	s3 =	sld [smem:$0x3FAA]  }
0x31: {  	[smem:$0x3FB3] =	sst s10  }
0x32: {  	s10 =	sld [smem:$0x3FB1];
	_ =	sdelay $0x3  }
0x33: {  	p0 =	seq.s32 s10, $0x1;
	s10 =	sld [smem:$0x3FB3];
	_ =	sdelay $0x3  }
0x34: {  	[smem:$0x3FB3] =	sst s10  }
0x35: {  	s10 =	sld [smem:$0x3FB2];
	_ =	sdelay $0x3  }
0x36: {  	p1 =	seq.s32 s10, $0x1;
	s10 =	sld [smem:$0x3FB3];
	_ =	sdelay $0x3  }
0x37: {  	[smem:$0x3FB3] =	sst s10  }
0x38: {  	s10 =	sld [smem:$0x3FB4]  }
0x39: {  	_ = 	snop;
	(pc) =	sbr.ind lr, $3  }
0x3a: {  	_ = 	snop  }
0x3b: {  	_ = 	snop  }
0x3c: {  	p2 =	seq.s32 s10, $0x1;
	s10 =	sld [smem:$0x3FB3]  }
0x3d: {  	_ =	shalt  }
0x3e: {  	_ =	shalt  }
0x3f: {  	_ =	shalt  }
0x40: {  	_ =	shalt  }
0x41: {  	_ =	shalt  }
0x42: {  	_ =	shalt  }
0x43: {  	_ =	shalt  }
0x44: {  	_ =	shalt  }
0x45: {  	_ =	shalt  }
0x46: {  	_ =	shalt  }
0x47: {  	_ =	shalt  }
0x48: {  	_ =	shalt  }
0x49: {  	_ =	shalt  }
0x4a: {  	_ =	shalt  }
0x4b: {  	_ =	shalt  }
0x4c: {  	_ =	shalt  }
0x4d: {  	_ =	shalt  }
0x4e: {  	_ =	shalt  }
0x4f: {  	_ =	shalt  }
0x50: {  	_ =	shalt  }
0x51: {  	_ =	shalt  }
0x52: {  	_ =	shalt  }
0x53: {  	_ =	shalt  }
0x54: {  	_ =	shalt  }
0x55: {  	_ =	shalt  }
0x56: {  	_ =	shalt  }
0x57: {  	_ =	shalt  }
0x58: {  	_ =	shalt  }
0x59: {  	_ =	shalt  }
0x5a: {  	_ =	shalt  }
0x5b: {  	_ =	shalt  }
0x5c: {  	_ =	shalt  }
0x5d: {  	_ =	shalt  }
0x5e: {  	_ =	shalt  }
0x5f: {  	_ =	shalt  }
0x60: {  	_ =	shalt  }
0x61: {  	_ =	shalt  }
0x62: {  	_ =	shalt  }
0x63: {  	_ =	shalt  }
0x64: {  	_ =	shalt  }
0x65: {  	_ =	shalt  }
0x66: {  	_ =	shalt  }
0x67: {  	_ =	shalt  }
0x68: {  	_ =	shalt  }
0x69: {  	_ =	shalt  }
0x6a: {  	_ =	shalt  }
0x6b: {  	_ =	shalt  }
0x6c: {  	_ =	shalt  }
0x6d: {  	_ =	shalt  }
0x6e: {  	_ =	shalt  }
0x6f: {  	_ =	shalt  }
0x70: {  	_ =	shalt  }
0x71: {  	_ =	shalt  }
0x72: {  	_ =	shalt  }
0x73: {  	_ =	shalt  }
0x74: {  	_ =	shalt  }
0x75: {  	_ =	shalt  }
0x76: {  	_ =	shalt  }
0x77: {  	_ =	shalt  }
0x78: {  	_ =	shalt  }
0x79: {  	_ =	shalt  }
0x7a: {  	_ =	shalt  }
0x7b: {  	_ =	shalt  }
0x7c: {  	_ =	shalt  }
0x7d: {  	_ =	shalt  }
0x7e: {  	_ =	shalt  }
0x7f: {  	_ =	shalt  }
0x80: {  	_ =	shalt  }
0x81: {  	_ =	shalt  }
0x82: {  	_ =	shalt  }
0x83: {  	_ =	shalt  }
0x84: {  	_ =	shalt  }
0x85: {  	_ =	shalt  }
0x86: {  	_ =	shalt  }
0x87: {  	_ =	shalt  }
.Lfunc_end0:
.L_simem_size_0:
called_computation.1_lowered:
.L_overlay_start_0:
0x88: {  	s2 =	sld [smem:$0x3FD9]  }
0x89: {  	s3 =	sld [smem:$0x3FFE];
	_ =	sdelay $0x1  }
0x8a: {  	s1 =	srdreg.scid  }
0x8b: {  	s0 =	sand.u32 $0x1, s1  }
0x8c: {  	s15 =	sshll.u32 s0, $0xA;
	s2 =	sadd.s32 s3, s2  }
0x8d: {  	s2 =	sadd.s32 s2, s15  }
0x8e: {  	[smem:$0x3FBF] =	sst s2  }
0x8f: {  	_ = 	snop  }
0x90: {  	s2 =	sld [smem:$0x3FD0];
	_ =	sdelay $0x2  }
0x91: {  	s16 =	simm.s32 $0xC;
	s4 =	simm.s32 $0x10  }
0x92: {  	[smem:s4], [sflag:s16] =	dma.local [hbm:s2], $0x1  }
0x93: {  	_ =	swait.eq [sflag:s16], $0x1  }
0x94: {  	[sflag:s16] =	ssyncset.done $0x0  }
0x95: {  	[sflag:s16] =	ssyncadd.s32 $0xFFFFFFFF  }
0x96: {  	s17 =	sld [smem:$0x11];
	(tm) =	ssettm $0x1  }
0x97: {  	s18 =	sld [smem:$0x3FFB];
	_ =	sdelay $0x3  }
0x98: {  	_ =	strace s18  }
0x99: {  	s2 =	sld [smem:$0x3FFC];
	_ =	sdelay $0x3  }
0x9a: {  	_ =	strace s2  }
0x9b: {  	s2 =	sld [smem:$0x3FFD];
	_ =	sdelay $0x3  }
0x9c: {  	_ =	strace s2  }
0x9d: {  	_ =	strace $0x8FFFFFFF  }
0x9e: {  	s19 =	sld [smem:$0x3FDB];
	_ =	sdelay $0x1  }
0x9f: {  	s20 =	simm.s32 $_scs_section_size  }
0xa0: {  	s5 =	simm.s32 $_size__tile_overlayer_lowered;
	s6 =	simm.s32 $_tile_overlayer_lowered  }
0xa1: {  	s7 =	simm.s32 $0x1BFF;
	s21 =	sshll.u32 s6, $0x1;
	s4 =	sadd.s32 s20, s19  }
0xa2: {  	s22 =	simm.s32 $0x0;
	s5 =	sshll.u32 s5, $0x1;
	s6 =	sadd.s32 s21, s4  }
0xa3: {  	[timem:s22], [sflag:s7] =	dma.local [hbm:s6], s5  }
0xa4: {  	_ =	swait.ge [sflag:s7], s5  }
0xa5: {  	s5 =	ssub.s32 $0x0, s5;
	[sflag:s7] =	ssyncset.done $0x0  }
0xa6: {  	[sflag:s7] =	ssyncadd.s32 s5;
	_ =	sdelay $0x1  }
0xa7: {  	s23 =	simm.s32 $0x1B8B  }
0xa8: {  	_ =	swait.ge [sflag:s23], $0x1  }
0xa9: {  	[sflag:s23] =	ssyncset.done $0x0  }
0xaa: {  	[sflag:s23] =	ssyncadd.s32 $0xFFFFFFFF  }
0xab: {  	s5 =	sld [smem:$0x0]  }
0xac: {  	s6 =	sand.u32 $0xFFFFFFFE, s1  }
0xad: {  	p0 =	sne.s32 s1, s6  }
0xae: {  	s6 =	sshll.u32 @p0 s6, $0xE  }
0xaf: {  	s6 =	sadd.s32 @p0 $0x11B8D, s6;
	s7 =	sshll.u32 @p0 s5, $0x11  }
0xb0: {  	s6 =	sor.u32 @p0 s7, s6  }
0xb1: {  	[sflag:s6] =	ssyncadd.remote.s32 @p0 $0x1;
	_ =	sdelay $0x1  }
0xb2: {  	s6 =	simm.s32 @p0 $0x1B8D  }
0xb3: {  	_ =	swait.eq @p0 [sflag:s6], $0x1  }
0xb4: {  	[sflag:s6] =	ssyncadd.s32 @p0 $0xFFFFFFFF  }
0xb5: {  	s7 =	sshll.u32 @!p0 s1, $0xE  }
0xb6: {  	s7 =	sor.u32 @!p0 $0x4000, s7;
	s6 =	simm.s32 @!p0 $0x1B8D  }
0xb7: {  	s5 =	sshll.u32 @!p0 s5, $0x11;
	s7 =	sadd.s32 @!p0 $0x11B8D, s7;
	_ =	swait.eq @!p0 [sflag:s6], $0x1  }
0xb8: {  	s5 =	sor.u32 @!p0 s5, s7;
	[sflag:s6] =	ssyncadd.s32 @!p0 $0xFFFFFFFF  }
0xb9: {  	s25 =	simm.s32 $0x1B8E;
	s24 =	sld [smem:$0x3FFE];
	[sflag:s5] =	ssyncadd.remote.s32 @!p0 $0x1  }
0xba: {  	s26 =	simm.s32 $execute0_lowered;
	[smem:$0x3FD2] =	sst s25  }
0xbb: {  	s6 =	sshll.u32 s26, $0x1;
	_ =	strace $0x80000049;
	[dreg:$0x1] =	wrdreg $0xFFFFFFFF  }
0xbc: {  	s28 =	simm.s32 $_size_execute0_lowered;
	s4 =	sadd.s32 s4, s6;
	[dreg:$0x0] =	wrdreg $0x0  }
0xbd: {  	s6 =	sshll.u32 s28, $0x1;
	[dreg:$0x2] =	wrdreg s4  }
0xbe: {  	[dreg:$0x3] =	wrdreg s6  }
0xbf: {  	[dreg:$0x4] =	wrdreg $0xC0  }
0xc0: {  	_ =	task [dreg:s22], $0x5FFFF  }
0xc1: {  	[dreg:$0x1] =	wrdreg $0xFFFFFFFF  }
0xc2: {  	[dreg:$0x0] =	wrdreg $0x60  }
0xc3: {  	[dreg:$0x2] =	wrdreg s24  }
0xc4: {  	[dreg:$0x3] =	wrdreg s17  }
0xc5: {  	[dreg:$0x4] =	wrdreg $0xA  }
0xc6: {  	_ =	task.clear_ibuf [dreg:s22], $0x5FFFF;
	_ =	strace $0x90000049  }
0xc7: {  	s29 =	simm.s32 $0xA;
	_ =	strace $0x8000004B  }
0xc8: {  	_ =	swait.ge [sflag:s29], $0x1  }
0xc9: {  	[sflag:s29] =	ssyncadd.s32 $0xFFFFFFFF  }
0xca: {  	_ =	strace $0x9000004B  }
0xcb: {  	_ =	sfence  }
0xcc: {  	s30 =	sld [smem:$0x0];
	_ =	sdelay $0x2  }
0xcd: {  	s31 =	sshll.u32 s1, $0xD;
	s1 =	sshrl.u32 s1, $0x2  }
0xce: {  	s4 =	sand.u32 $0x4000, s31;
	s1 =	sadd.s32 s1, s30  }
0xcf: {  	s0 =	sor.u32 s4, s0;
	s1 =	sshll.u32 s1, $0x11  }
0xd0: {  	s0 =	sor.u32 s1, s0  }
0xd1: {  	s0 =	sadd.s32 $0x8F2B, s0  }
0xd2: {  	[sflag:s0] =	ssyncadd.remote.s32 $0x1  }
0xd3: {  	_ =	sfence.sel $0xFFFF  }
0xd4: {  	[dreg:$0x0] =	wrdreg $0xFFFFFFFF;
	(pc) =	sbr.abs _section_cstart, $3  }
0xd5: {  	[dreg:$0x1] =	wrdreg $0xFFFFFFFF  }
0xd6: {  	_ =	task.clear_ibuf [dreg:s22], $0x2FFFF;
	_ =	strace $0x9FFFFFFF  }
0xd7: {  	(tm) =	ssettm $0x7FFFFFFF  }
tec
execute0_lowered:
.L_overlay_start_1:
0x0: {  	(tag) =	ssettag $0x1  }
0x1: {  	s0 =	srdreg.scid  }
0x2: {  	s1 =	sshll.u32 s0, $0x4  }
0x3: {  	s0 =	stileid.u32;
	s1 =	sand.u32 $0x10, s1  }
0x4: {  	s2 =	sor.u32 s0, s1  }
0x5: {  	s1 =	smin.u32 s2, $0x1C  }
0x6: {  	s1 =	sadd.s32 s2, s1  }
0x7: {  	p0 =	slt.u32 s2, $0x1C;
	s2 =	simm.s32 $0x190;
	s1 =	smul.u32 $0xC8, s1  }
0x8: {  	s2 =	simm.s32 @!p0 $0xC8  }
0x9: {  	s2 =	sadd.s32 s2, s1  }
0xa: {  	s3 =	smin.u32 s2, $0x2EE0  }
0xb: {  	s7 =	ssub.s32 s3, s1  }
0xc: {  	p0 =	sgt.s32 s7, $0x0  }
0xd: {  	s7 =	simm.s32 @!p0 $0x0  }
0xe: {  	s31 =	sand.u32 $0xFFF8, s7  }
0xf: {  	s2 =	sshrl.u32 s31, $0x3  }
0x10: {  	s9 =	rddreg [dreg:$0x0];
	s2 =	smul.u32 $0x147B, s2  }
0x11: {  	s4 =	rddreg [dreg:$0x1];
	s6 =	simm.s32 $0x1  }
0x12: {  	s11 =	simm.s32 $0x3;
	s13 =	simm.s32 $0x0;
	s8 =	sshrl.u32 s2, $0x11  }
0x13: {  	s12 =	simm.s32 $0x0;
	s5 =	sadd.s32 $0x284C00, s9;
	s10 =	smul.u32 $0xC8, s8  }
.Ltmp0:
0x14: {  	s9 =	sadd.s32 $0x400, s9;
	s2 =	rddreg [dreg:$0x2];
	(pc) =	sbr.rel .LBB2_1-.Ltmp0, $4  }
0x15: {  	_ =	strace $0x8000004A;
	p0 =	sne.s32 s7, s10;
	s10 =	simm.s32 $0x1  }
0x16: {  	[sflag:s6] =	ssyncpa.u1 $0x0;
	s7 =	simm.s32 $0x2;
	s10 =	simm.s32 @!p0 $0x0  }
0x17: {  	[sflag:s7] =	ssyncpa.u1 $0x0;
	p0 =	por $0x0, $0x0;
	s8 =	sadd.s32 s8, s10  }
0x18: {  	vm0 =	vmmov $0xff;
	vm1 =	vcmask $0x3F20;
	[sflag:s11] =	ssyncpa.u1 $0x0;
	s11 =	smov.u32 s1;
	s10 =	sadd.s32 $0x1, s8  }
.LBB2_6:
0x19: {  	[hbm:s17] =	stream.linear.scatter [tilespmem:s14], [sflag:$0x3], $0x400, $0x38;
	[tilespmem:$0xC990] =	vst v63  }
.LBB2_7:
0x1a: {  	s13 =	sadd.s32 $0xC8, s11  }
0x1b: {  	s15 =	smov.u32 s1;
	p2 =	slt.s32 s13, s3  }
0x1c: {  	s15 =	smov.u32 @p2 s13;
	p2 =	sne.s32 s12, s10  }
.Ltmp1:
0x1d: {  	p1 =	slt.u32 s12, $0x2;
	(pc) =	sbr.rel @!p2 .LBB2_8-.Ltmp1, $4  }
0x1e: {  	s14 =	simm.s32 @!p1 $0x3  }
0x1f: {  	s16 =	sadd.s32 $0x1, s12;
	_ =	swait.ge @!p1 [sflag:s14], $0x6400  }
0x20: {  	p0 =	por !p0, !p0;
	s13 =	smov.u32 s11;
	[sflag:s14] =	ssyncset.done @!p1 $0x0  }
0x21: {  	s12 =	smov.u32 s16;
	s11 =	smov.u32 s15;
	[sflag:s14] =	ssyncadd.s32 @!p1 $0xFFFF9C00  }
.LBB2_1:
0x22: {  	p1 =	sge.u32 s12, s8  }
0x23: {  	s14 =	sxor.u32 @!p1 $0xFFFFFFFF, s12  }
0x24: {  	s14 =	sand.u32 @!p1 $0x1, s14  }
0x25: {  	s14 =	smul.u32 @!p1 $0x320, s14  }
0x26: {  	s31 =	sadd.s32 $0xFFFFFFFF, s12;
	s15 =	sshrl.u32 @!p1 s11, $0x3  }
0x27: {  	s16 =	sand.u32 @!p1 $0x7, s11;
	s15 =	sadd.s32 @!p1 s4, s15;
	s14 =	sshrl.u32 @!p1 s14, $0x2  }
0x28: {  	[tilespmem:s14], [sflag:$0x2] =	stream.linear.gather @!p1 [hbm4b:s15+s16], $0xC8, $0x38;
	[tilespmem:$0xC990] =	vst v63  }
0x29: {  	p1 =	sge.u32 s31, s8  }
.Ltmp2:
0x2a: {  	_ = 	snop;
	(pc) =	sbr.rel @p1 .LBB2_7-.Ltmp2, $1  }
0x2b: {  	_ =	sdelay $0x3  }
0x2c: {  	s14 =	simm.s32 $0x1  }
0x2d: {  	s14 =	simm.s32 @!p0 $0x0  }
0x2e: {  	s15 =	smul.u32 $0x320, s14  }
0x2f: {  	_ =	swait.ge [sflag:s7], $0xC8  }
0x30: {  	[sflag:s7] =	ssyncset.done $0x0;
	s16 =	sshrl.u32 s15, $0x2  }
0x31: {  	[sflag:s7] =	ssyncadd.s32 $0xFFFFFF38;
	s15 =	sadd.s32 $0x0, s16  }
0x32: {  	v0 =	vld.msk [tilespmem:s15+$0x0 ss:$0x1], $0xffff;
	_ =	sdelay $0x4  }
0x33: {  	vm2 =	vgt.s32 v0, $0x0  }
0x34: {  	v0 =	vnsel vm2, $0x0, v0  }
0x35: {  	v0 =	vmin.u32 v0, $0x57E3  }
0x36: {  	v0 =	vshll.u32 v0, $0x4  }
0x37: {  	s14 =	smul.u32 $0x19000, s14  }
0x38: {  	s31 =	sand.u32 $0x1, s12  }
0x39: {  	s17 =	smul.u32 $0x320, s31;
	s14 =	sshrl.u32 s14, $0x2  }
0x3a: {  	s19 =	smul.u32 $0x19000, s31;
	s14 =	sor.u32 $0x190, s14  }
0x3b: {  	[tilespmem:s14], [sflag:$0x1] =	stream.indirect_vreg.gather [hbm:s5], $0x80, v0, vm0, $0x38;
	[tilespmem:$0xC990] =	vst v63  }
0x3c: {  	s18 =	sshrl.u32 s17, $0x2;
	s20 =	sadd.s32 $0x10, s16;
	s15 =	sadd.s32 $0x400, s14  }
0x3d: {  	[tilespmem:s15], [sflag:$0x1] =	stream.indirect_vreg.gather [hbm:s5], $0x80, v0, vm1, $0x38;
	[tilespmem:$0xC990] =	vst v63  }
0x3e: {  	s17 =	sshrl.u32 s19, $0x2;
	s19 =	smov.u32 s14;
	v0 =	vld.msk [tilespmem:s20+$0x0 ss:$0x1], $0xffff;
	s20 =	simm.s32 $0x80  }
.LBB2_3:
0x3f: {  	p1 =	sne.s32 s20, $0x2C0;
	_ =	sdelay $0x4  }
0x40: {  	vm2 =	vgt.s32 v0, $0x0  }
0x41: {  	v0 =	vnsel vm2, $0x0, v0  }
0x42: {  	v0 =	vmin.u32 v0, $0x57E3  }
0x43: {  	v0 =	vshll.u32 v0, $0x4;
	_ =	sdelay $0x3  }
.Ltmp3:
0x44: {  	s21 =	sshra.s32 s20, $0x2;
	s19 =	sadd.s32 $0x800, s19;
	(pc) =	sbr.rel @p1 .LBB2_3-.Ltmp3, $4  }
0x45: {  	[tilespmem:s19], [sflag:$0x1] =	stream.indirect_vreg.gather [hbm:s5], $0x80, v0, vm0, $0x38;
	[tilespmem:$0xC990] =	vst v63  }
0x46: {  	s21 =	sadd.s32 s21, s16;
	s22 =	sadd.s32 $0x400, s19  }
0x47: {  	[tilespmem:s22], [sflag:$0x1] =	stream.indirect_vreg.gather [hbm:s5], $0x80, v0, vm1, $0x38;
	[tilespmem:$0xC990] =	vst v63  }
0x48: {  	s20 =	sadd.s32 $0x40, s20;
	v0 =	vld.msk [tilespmem:s21+$0x0 ss:$0x1], $0xffff  }
0x49: {  	_ =	sdelay $0x3  }
0x4a: {  	vm2 =	vgt.s32 v0, $0x0  }
0x4b: {  	v0 =	vnsel vm2, $0x0, v0  }
0x4c: {  	v0 =	vmin.u32 v0, $0x57E3  }
0x4d: {  	v0 =	vshll.u32 v0, $0x4;
	_ =	sdelay $0x3  }
0x4e: {  	s16 =	sadd.s32 $0x800, s19  }
0x4f: {  	[tilespmem:s16], [sflag:$0x1] =	stream.indirect_vreg.gather [hbm:s5], $0x80, v0, vm0, $0x38;
	[tilespmem:$0xC990] =	vst v63  }
0x50: {  	s16 =	sadd.s32 $0x400, s16  }
0x51: {  	[tilespmem:s16], [sflag:$0x1] =	stream.indirect_vreg.gather [hbm:s5], $0x80, v0, vm1, $0x38;
	[tilespmem:$0xC990] =	vst v63  }
0x52: {  	v0 =	vld.msk [tilespmem:s18+$0xC0 ss:$0x1], $0xff;
	_ =	sdelay $0x4  }
0x53: {  	vm2 =	vgt.s32 v0, $0x0  }
0x54: {  	v0 =	vnsel vm2, $0x0, v0  }
0x55: {  	v0 =	vmin.u32 v0, $0x57E3  }
0x56: {  	v0 =	vshll.u32 v0, $0x4;
	_ =	sdelay $0x3  }
0x57: {  	s31 =	sadd.s32 $0x6190, s17  }
0x58: {  	[tilespmem:s31], [sflag:$0x1] =	stream.indirect_vreg.gather [hbm:s5], $0x80, v0, vm0, $0x38;
	[tilespmem:$0xC990] =	vst v63  }
0x59: {  	s13 =	sshll.u32 s13, $0x4;
	_ =	swait.ge [sflag:s6], $0x6400  }
0x5a: {  	s13 =	sadd.s32 s13, s9;
	[sflag:s6] =	ssyncset.done $0x0  }
0x5b: {  	s17 =	sadd.s32 $0x0, s13;
	s16 =	simm.s32 $0x80;
	[sflag:s6] =	ssyncadd.s32 $0xFFFF9C00  }
.LBB2_5:
0x5c: {  	[hbm:s17] =	stream.linear.scatter [tilespmem:s14], [sflag:$0x3], $0x400, $0x38;
	[tilespmem:$0xC990] =	vst v63  }
0x5d: {  	s17 =	smov.u32 s16;
	s14 =	smov.u32 s15;
	p1 =	sne.s32 s16, $0xC00  }
.Ltmp4:
0x5e: {  	s16 =	sadd.s32 $0x80, s16;
	(pc) =	sbr.rel @p1 .LBB2_5-.Ltmp4, $2  }
0x5f: {  	_ =	sdelay $0x2  }
0x60: {  	s15 =	sadd.s32 $0x400, s15;
	s17 =	sadd.s32 s17, s13  }
.Ltmp5:
0x61: {  	_ = 	snop;
	(pc) =	sbr.rel .LBB2_6-.Ltmp5, $1  }
0x62: {  	_ =	sdelay $0x3  }
.LBB2_8:
0x63: {  	_ =	sfence.sel $0x180000  }
0x64: {  	s1 =	simm.s32 $0x2;
	[bflag:$0x0] =	sbarrier.arrive $0xFFFF  }
0x65: {  	s30 =	simm.s32 $0x3;
	[sflag:s1] =	ssyncpa.u1 $0x1  }
0x66: {  	s31 =	simm.s32 $0x1;
	[sflag:s30] =	ssyncpa.u1 $0x1  }
0x67: {  	[sflag:s31] =	ssyncpa.u1 $0x1  }
0x68: {  	p0 =	sne.s32 s0, $0x0;
	_ =	strace $0x9000004A  }
0x69: {  	s0 =	sadd.s32 @!p0 $0x100000, s2;
	[bflag:$0x2] =	sbarrier.arrive $0xFFFF  }
0x6a: {  	[sflag:s0] =	ssyncadd.tile.s32 @!p0 $0x1;
	_ =	shalt  }
.Lfunc_end2:
_tile_overlayer_lowered:
.L_overlay_start_2:
0x6b: {  	(tag) =	ssettag $0x2  }
0x6c: {  	s0 =	rddreg [dreg:$0x0];
	s2 =	stileid.u32  }
0x6d: {  	s1 =	rddreg [dreg:$0x1];
	p0 =	sne.s32 s2, $0x0  }
0x6e: {  	s3 =	rddreg [dreg:$0x2];
	[bflag:$0x3] =	sbarrier.arrive $0xFFFF;
	s2 =	simm.s32 @!p0 $0x1C01  }
0x6f: {  	[timem:s3], [sflag:s2] =	dma.local @!p0 [hbm:s0], s1  }
0x70: {  	s0 =	simm.s32 @!p0 $0x1  }
0x71: {  	_ =	swait.ge @!p0 [sflag:s0], s1  }
0x72: {  	s1 =	ssub.s32 @!p0 $0x0, s1;
	[sflag:s0] =	ssyncset.done @!p0 $0x0  }
0x73: {  	[sflag:s0] =	ssyncadd.s32 @!p0 s1  }
0x74: {  	[bflag:$0x3] =	sbarrier.arrive $0xFFFF  }
0x75: {  	_ =	shalt  }

// kernel: sparse-core-data-format-call.cloned.1.call-start
scs
called_computation_lowered:
.L_overlay_start_0:
0x0: {  	s2 =	sld [smem:$0x3FD9]  }
0x1: {  	s3 =	sld [smem:$0x3FFE];
	_ =	sdelay $0x1  }
0x2: {  	s1 =	srdreg.scid  }
0x3: {  	s0 =	sand.u32 $0x1, s1  }
0x4: {  	s18 =	sshll.u32 s0, $0xA;
	s2 =	sadd.s32 s3, s2  }
0x5: {  	s2 =	sadd.s32 s2, s18  }
0x6: {  	[smem:$0x3FBF] =	sst s2  }
0x7: {  	_ = 	snop  }
0x8: {  	(tm) =	ssettm $0x1  }
0x9: {  	s19 =	sld [smem:$0x3FFB];
	_ =	sdelay $0x3  }
0xa: {  	_ =	strace s19  }
0xb: {  	s2 =	sld [smem:$0x3FFC];
	_ =	sdelay $0x3  }
0xc: {  	_ =	strace s2  }
0xd: {  	s2 =	sld [smem:$0x3FFD];
	_ =	sdelay $0x3  }
0xe: {  	_ =	strace s2  }
0xf: {  	_ =	strace $0x8FFFFFFF  }
0x10: {  	s20 =	sld [smem:$0x3FDB];
	_ =	sdelay $0x1  }
0x11: {  	s21 =	simm.s32 $_scs_section_size  }
0x12: {  	s4 =	simm.s32 $_size__tile_overlayer_lowered;
	s5 =	simm.s32 $_tile_overlayer_lowered  }
0x13: {  	s6 =	simm.s32 $0x1BFF;
	s22 =	sshll.u32 s5, $0x1;
	s3 =	sadd.s32 s21, s20  }
0x14: {  	s23 =	simm.s32 $0x0;
	s4 =	sshll.u32 s4, $0x1;
	s5 =	sadd.s32 s22, s3  }
0x15: {  	[timem:s23], [sflag:s6] =	dma.local [hbm:s5], s4  }
0x16: {  	_ =	swait.ge [sflag:s6], s4  }
0x17: {  	s4 =	ssub.s32 $0x0, s4;
	[sflag:s6] =	ssyncset.done $0x0  }
0x18: {  	[sflag:s6] =	ssyncadd.s32 s4;
	_ =	sdelay $0x1  }
0x19: {  	s24 =	simm.s32 $0x1B8B  }
0x1a: {  	_ =	swait.ge [sflag:s24], $0x1  }
0x1b: {  	[sflag:s24] =	ssyncset.done $0x0  }
0x1c: {  	[sflag:s24] =	ssyncadd.s32 $0xFFFFFFFF  }
0x1d: {  	s4 =	sld [smem:$0x0]  }
0x1e: {  	s5 =	sand.u32 $0xFFFFFFFE, s1  }
0x1f: {  	p0 =	sne.s32 s1, s5  }
0x20: {  	s5 =	sshll.u32 @p0 s5, $0xE  }
0x21: {  	s5 =	sadd.s32 @p0 $0x11B8D, s5;
	s6 =	sshll.u32 @p0 s4, $0x11  }
0x22: {  	s5 =	sor.u32 @p0 s6, s5  }
0x23: {  	[sflag:s5] =	ssyncadd.remote.s32 @p0 $0x1;
	_ =	sdelay $0x1  }
0x24: {  	s5 =	simm.s32 @p0 $0x1B8D  }
0x25: {  	_ =	swait.eq @p0 [sflag:s5], $0x1  }
0x26: {  	[sflag:s5] =	ssyncadd.s32 @p0 $0xFFFFFFFF  }
0x27: {  	s6 =	sshll.u32 @!p0 s1, $0xE  }
0x28: {  	s6 =	sor.u32 @!p0 $0x4000, s6;
	s5 =	simm.s32 @!p0 $0x1B8D  }
0x29: {  	s4 =	sshll.u32 @!p0 s4, $0x11;
	s6 =	sadd.s32 @!p0 $0x11B8D, s6;
	_ =	swait.eq @!p0 [sflag:s5], $0x1  }
0x2a: {  	s4 =	sor.u32 @!p0 s4, s6;
	[sflag:s5] =	ssyncadd.s32 @!p0 $0xFFFFFFFF  }
0x2b: {  	s26 =	simm.s32 $0x1B8E;
	s25 =	sld [smem:$0x3FFE];
	[sflag:s4] =	ssyncadd.remote.s32 @!p0 $0x1  }
0x2c: {  	s27 =	simm.s32 $execute0_lowered;
	[smem:$0x3FD2] =	sst s26  }
0x2d: {  	s5 =	sshll.u32 s27, $0x1;
	_ =	strace $0x8000004C;
	[dreg:$0x1] =	wrdreg $0xFFFFFFFF  }
0x2e: {  	s28 =	simm.s32 $_size_execute0_lowered;
	s3 =	sadd.s32 s3, s5;
	[dreg:$0x0] =	wrdreg $0x0  }
0x2f: {  	s5 =	sshll.u32 s28, $0x1;
	[dreg:$0x2] =	wrdreg s3  }
0x30: {  	[dreg:$0x3] =	wrdreg s5  }
0x31: {  	[dreg:$0x4] =	wrdreg $0xC0  }
0x32: {  	_ =	task [dreg:s23], $0x5FFFF  }
0x33: {  	[dreg:$0x1] =	wrdreg $0xFFFFFFFF  }
0x34: {  	[dreg:$0x0] =	wrdreg $0x60  }
0x35: {  	[dreg:$0x2] =	wrdreg s25  }
0x36: {  	[dreg:$0x3] =	wrdreg $0x9  }
0x37: {  	_ =	task.clear_ibuf [dreg:s23], $0x4FFFF;
	_ =	strace $0x9000004C  }
0x38: {  	s29 =	simm.s32 $0x9;
	_ =	strace $0x8000004E  }
0x39: {  	_ =	swait.ge [sflag:s29], $0x1  }
0x3a: {  	[sflag:s29] =	ssyncadd.s32 $0xFFFFFFFF  }
0x3b: {  	_ =	strace $0x9000004E  }
0x3c: {  	_ =	sfence  }
0x3d: {  	s30 =	sld [smem:$0x0];
	_ =	sdelay $0x2  }
0x3e: {  	s31 =	sshll.u32 s1, $0xD;
	s1 =	sshrl.u32 s1, $0x2  }
0x3f: {  	s4 =	sand.u32 $0x4000, s31;
	s1 =	sadd.s32 s1, s30  }
0x40: {  	s0 =	sor.u32 s4, s0;
	s1 =	sshll.u32 s1, $0x11  }
0x41: {  	s0 =	sor.u32 s1, s0  }
0x42: {  	s0 =	sadd.s32 $0x8F2B, s0  }
0x43: {  	[sflag:s0] =	ssyncadd.remote.s32 $0x1  }
0x44: {  	_ =	sfence.sel $0xFFFF  }
0x45: {  	[dreg:$0x0] =	wrdreg $0xFFFFFFFF;
	(pc) =	sbr.abs _section_cstart, $3  }
0x46: {  	[dreg:$0x1] =	wrdreg $0xFFFFFFFF  }
0x47: {  	_ =	task.clear_ibuf [dreg:s23], $0x2FFFF;
	_ =	strace $0x9FFFFFFF  }
0x48: {  	(tm) =	ssettm $0x7FFFFFFF  }
0x49: {  	_ =	shalt  }
tec
execute0_lowered:
.L_overlay_start_1:
0x0: {  	(tag) =	ssettag $0x1  }
0x1: {  	s0 =	srdreg.scid;
	s7 =	rddreg [dreg:$0x0];
	s31 =	simm.s32 $0x2  }
0x2: {  	s14 =	simm.s32 $0x0;
	s15 =	simm.s32 $0x0;
	s1 =	sshll.u32 s0, $0x4  }
0x3: {  	s16 =	simm.s32 $0x0;
	s0 =	stileid.u32;
	s1 =	sand.u32 $0x10, s1  }
0x4: {  	s12 =	simm.s32 $0x0;
	s30 =	sshll.u32 s0, $0x7;
	s8 =	sor.u32 s0, s1  }
0x5: {  	s13 =	simm.s32 $0x0;
	s2 =	sand.u32 $0x380, s30;
	s3 =	sshll.u32 s8, $0x4  }
0x6: {  	s1 =	rddreg [dreg:$0x1];
	_ =	strace $0x8000004D;
	s3 =	sand.u32 $0x180, s3  }
0x7: {  	s4 =	ssub.s32 $0x980, s2;
	s8 =	sshll.u32 s8, $0x7;
	s5 =	ssub.s32 $0x200, s3  }
0x8: {  	s11 =	smov.u32 s2;
	s4 =	sshrl.u32 s4, $0xA;
	s6 =	sand.u32 $0x180, s5  }
0x9: {  	s9 =	smul.u32 $0x9, s4;
	p0 =	sne.s32 s6, $0x0;
	s6 =	simm.s32 $0x1  }
.Ltmp0:
0xa: {  	s10 =	sshrl.u32 s5, $0x9;
	s6 =	simm.s32 @!p0 $0x0;
	(pc) =	sbr.rel .LBB1_1-.Ltmp0, $4  }
0xb: {  	s5 =	simm.s32 $0x1;
	s9 =	sadd.s32 $0x9, s9;
	s6 =	sadd.s32 s6, s10  }
0xc: {  	s8 =	sand.u32 $0xC00, s8;
	[sflag:s5] =	ssyncpa.u1 $0x0;
	s6 =	smul.u32 s9, s6  }
0xd: {  	s4 =	sadd.s32 $0xAAA00, s7;
	s7 =	sadd.s32 $0x2DCC00, s7;
	[sflag:s31] =	ssyncpa.u1 $0x0  }
0xe: {  	p0 =	por $0x0, $0x0;
	s10 =	simm.s32 $0xA000;
	s9 =	sadd.s32 $0x1, s6  }
.LBB1_4:
0xf: {  	s22 =	sshrl.u32 s16, $0x3  }
0x10: {  	s23 =	sshll.u32 s15, $0x3;
	s22 =	smul.u32 $0x5000, s22  }
0x11: {  	s27 =	sshll.u32 s16, $0x7;
	s23 =	sand.u32 $0xFFFFFC00, s23  }
0x12: {  	v5 =	vld [tilespmem:s20+$0xFFFFFFD0];
	[tilespmem:s19+$0x2040 ss:$0x81] =	vst.msk $0xffff, v4;
	s16 =	sand.u32 $0x380, s27;
	s22 =	sadd.s32 s22, s23  }
0x13: {  	v58 =	vld [tilespmem:s20+$0xFFFFFFE0];
	[tilespmem:s19+$0x2850 ss:$0x81] =	vst.msk $0xffff, v3;
	s28 =	sand.u32 $0x7F, s15;
	s16 =	sor.u32 s16, s22  }
0x14: {  	s21 =	sshra.s32 s21, $0x2;
	v59 =	vld [tilespmem:s20+$0xFFFFFFF0];
	[tilespmem:s19+$0x3060 ss:$0x81] =	vst.msk $0xffff, v2;
	s15 =	sor.u32 s28, s16  }
0x15: {  	v60 =	vld [tilespmem:s20+$0x0];
	[tilespmem:s19+$0x0 ss:$0x81] =	vst.msk $0xffff, v0;
	s18 =	sadd.s32 s21, s18;
	s29 =	smulhi.u32 $0xCCCCCCCD, s15  }
0x16: {  	v61 =	vld [tilespmem:s20+$0x10];
	[tilespmem:s18+$0x3870 ss:$0x81] =	vst.msk $0xffff, v1;
	s16 =	smulhi.u32 $0xCCCCCCCD, s16  }
0x17: {  	v62 =	vld [tilespmem:s20+$0x20];
	[tilespmem:s18+$0x810 ss:$0x81] =	vst.msk $0xffff, v5;
	s19 =	sshrl.u32 s29, $0xB  }
0x18: {  	v63 =	vld [tilespmem:s20+$0xFFFFFFC0];
	[tilespmem:s18+$0x1020 ss:$0x81] =	vst.msk $0xffff, v58;
	s16 =	sshrl.u32 s16, $0xB;
	s19 =	smul.u32 $0xA00, s19  }
0x19: {  	s14 =	smul.u32 $0x1400, s14;
	[tilespmem:s18+$0x1830 ss:$0x81] =	vst.msk $0xffff, v59;
	s16 =	sand.u32 $0xF, s16  }
0x1a: {  	[tilespmem:s18+$0x2040 ss:$0x81] =	vst.msk $0xffff, v60;
	s16 =	smul.u32 $0x140, s16;
	s15 =	ssub.s32 s15, s19  }
0x1b: {  	s14 =	sadd.s32 s7, s14;
	[tilespmem:s18+$0x2850 ss:$0x81] =	vst.msk $0xffff, v61;
	s19 =	sand.u32 $0x7, s15  }
0x1c: {  	[tilespmem:s18+$0x3060 ss:$0x81] =	vst.msk $0xffff, v62;
	s14 =	sadd.s32 s16, s14;
	s15 =	sshrl.u32 s15, $0x3;
	s30 =	sshll.u32 s19, $0x12  }
0x1d: {  	[tilespmem:s18+$0x0 ss:$0x81] =	vst.msk $0xffff, v63;
	s14 =	sadd.s32 s15, s14;
	s31 =	sor.u32 $0x80, s30  }
0x1e: {  	[hbm4b:s14+s31] =	stream.strided.scatter [tilespmem:s17], [sflag:$0x2], $0x4000, s10, s31, $0x20;
	[tilespmem:$0x10100] =	vst v63  }
.LBB1_5:
0x1f: {  	s17 =	sadd.s32 $0x400, s11  }
0x20: {  	s14 =	simm.s32 $0x1;
	p2 =	sgt.s32 s17, $0x9C3  }
0x21: {  	s14 =	simm.s32 @!p2 $0x0  }
0x22: {  	s19 =	sadd.s32 s14, s12  }
0x23: {  	s17 =	smov.u32 @p2 s2;
	p2 =	sgt.s32 s19, $0x8  }
0x24: {  	s19 =	simm.s32 @p2 $0x0;
	p2 =	sne.s32 s13, s9  }
.Ltmp1:
0x25: {  	p1 =	slt.u32 s13, $0x2;
	(pc) =	sbr.rel @!p2 .LBB1_6-.Ltmp1, $4  }
0x26: {  	s15 =	smov.u32 s11;
	s18 =	simm.s32 @!p1 $0x2  }
0x27: {  	s16 =	smov.u32 s12;
	p0 =	por !p0, !p0;
	_ =	swait.ge @!p1 [sflag:s18], $0x4000  }
0x28: {  	[sflag:s18] =	ssyncset.done @!p1 $0x0;
	s14 =	smov.u32 s3;
	s11 =	smov.u32 s17  }
0x29: {  	[sflag:s18] =	ssyncadd.s32 @!p1 $0xFFFFC000;
	s13 =	sadd.s32 $0x1, s13;
	s12 =	smov.u32 s19  }
.LBB1_1:
0x2a: {  	p1 =	sge.u32 s13, s6  }
0x2b: {  	s20 =	smov.u32 s12;
	s17 =	sshll.u32 @!p1 s11, $0x9;
	s18 =	sshll.u32 @!p1 s11, $0x7  }
0x2c: {  	p2 =	sgt.s32 @!p1 s11, $0x948;
	s19 =	sshra.s32 @!p1 s11, $0x1F;
	p3 =	sgt.s32 @!p1 s12, $0x8  }
0x2d: {  	s21 =	sshra.s32 @!p1 s12, $0x1F;
	s17 =	sand.u32 @!p1 $0xFFFFF000, s17;
	s18 =	sand.u32 @!p1 $0x200, s18  }
0x2e: {  	p2 =	por !p2, p1;
	s19 =	sand.u32 @!p1 s19, s11;
	s17 =	sor.u32 @!p1 s8, s17  }
0x2f: {  	s21 =	sand.u32 @!p1 s21, s12;
	s17 =	sor.u32 @!p1 s18, s17;
	s18 =	smov.u32 s11  }
0x30: {  	s17 =	sshrl.u32 @!p1 s17, $0x9;
	s18 =	simm.s32 @p2 $0x948;
	p2 =	por !p3, p1  }
0x31: {  	s18 =	ssub.s32 @!p1 s18, s19;
	s19 =	smulhi.u32 @!p1 $0xD16155, s17;
	s20 =	simm.s32 @p2 $0x8  }
0x32: {  	s31 =	sadd.s32 $0xFFFFFFFF, s13;
	s20 =	ssub.s32 @!p1 s20, s21;
	s21 =	sadd.s32 @!p1 $0xFFFFF6B8, s18  }
0x33: {  	s18 =	ssub.s32 @!p1 $0x9C8, s18;
	s19 =	sshrl.u32 @!p1 s19, $0x3;
	s20 =	sadd.s32 @!p1 $0xFFFFFFF8, s20  }
0x34: {  	p2 =	sgt.s32 @!p1 s21, $0x7F;
	s21 =	sxor.u32 @!p1 $0xFFFFFFFF, s13;
	s19 =	smul.u32 @!p1 $0x9C8, s19  }
0x35: {  	p3 =	sgt.s32 @!p1 s20, $0x0;
	p2 =	por !p2, p1;
	s20 =	sshll.u32 @!p1 s20, $0x7  }
0x36: {  	s18 =	simm.s32 @!p2 $0x0;
	s20 =	ssub.s32 @!p1 $0x80, s20;
	p2 =	por !p3, p1  }
0x37: {  	s17 =	ssub.s32 @!p1 s17, s19;
	s20 =	simm.s32 @!p2 $0x0;
	s19 =	smul.u32 @!p1 $0x27200, s12  }
0x38: {  	s21 =	sshll.u32 @!p1 s21, $0xE;
	s18 =	smul.u32 @!p1 s18, s20;
	s20 =	sshll.u32 @!p1 s11, $0x4  }
0x39: {  	s21 =	sand.u32 @!p1 $0x4000, s21;
	s20 =	sand.u32 @!p1 $0x30, s20;
	s19 =	sadd.s32 @!p1 s4, s19  }
0x3a: {  	s17 =	sshll.u32 @!p1 s17, $0x6;
	s18 =	sand.u32 @!p1 $0x3FFFFF80, s18;
	s19 =	sadd.s32 @!p1 s20, s19  }
0x3b: {  	s20 =	simm.s32 @!p1 $0x1000;
	s17 =	sadd.s32 @!p1 s17, s19;
	s19 =	simm.s32 @!p1 $0x400  }
0x3c: {  	[tilespmem:s21], [sflag:$0x1] =	stream.strided.gather @!p1 [hbm4b:s17+s19], s18, s20, s19, $0x38;
	[tilespmem:$0x10100] =	vst v63  }
0x3d: {  	p1 =	sge.u32 s31, s6  }
.Ltmp2:
0x3e: {  	_ = 	snop;
	(pc) =	sbr.rel @p1 .LBB1_5-.Ltmp2, $1  }
0x3f: {  	_ =	sdelay $0x3  }
0x40: {  	p1 =	sgt.s32 s16, $0x8;
	s17 =	smov.u32 s16  }
0x41: {  	s18 =	sshra.s32 s16, $0x1F;
	s19 =	smov.u32 s15;
	s20 =	sshra.s32 s15, $0x1F  }
0x42: {  	s17 =	simm.s32 @!p1 $0x8;
	s18 =	sand.u32 s18, s16;
	p1 =	sgt.s32 s15, $0x948  }
0x43: {  	s27 =	sand.u32 s20, s15;
	s17 =	ssub.s32 s17, s18;
	s19 =	simm.s32 @!p1 $0x948  }
0x44: {  	s17 =	sadd.s32 $0xFFFFFFF8, s17;
	s18 =	ssub.s32 s19, s27  }
0x45: {  	p1 =	sgt.s32 s17, $0x0;
	s19 =	sadd.s32 $0xFFFFF6B8, s18;
	s17 =	sshll.u32 s17, $0x7  }
0x46: {  	s18 =	ssub.s32 $0x9C8, s18;
	p2 =	sgt.s32 s19, $0x7F;
	s17 =	ssub.s32 $0x80, s17  }
0x47: {  	s18 =	simm.s32 @p2 $0x0;
	s17 =	simm.s32 @p1 $0x0  }
0x48: {  	s17 =	smul.u32 s18, s17;
	_ =	sdelay $0x1  }
0x49: {  	s18 =	simm.s32 $0x1;
	s17 =	sand.u32 $0x3FFFFF80, s17  }
0x4a: {  	s18 =	simm.s32 @!p0 $0x0;
	_ =	swait.ge [sflag:s5], s17  }
0x4b: {  	s28 =	sshll.u32 s18, $0xE;
	s17 =	ssub.s32 $0x0, s17;
	[sflag:s5] =	ssyncset.done $0x0  }
0x4c: {  	s29 =	sor.u32 $0x40, s28;
	[sflag:s5] =	ssyncadd.s32 s17  }
0x4d: {  	s30 =	smul.u32 $0x10200, s18;
	v0 =	vld [tilespmem:s29+$0x30]  }
0x4e: {  	v1 =	vld [tilespmem:s29+$0xFFFFFFD0]  }
0x4f: {  	s17 =	sshrl.u32 s30, $0x2;
	v5 =	vld [tilespmem:s29+$0xFFFFFFE0]  }
0x50: {  	s18 =	sor.u32 $0x8000, s17;
	v6 =	vld [tilespmem:s29+$0xFFFFFFF0]  }
0x51: {  	s31 =	sand.u32 $0x1, s13;
	v4 =	vld [tilespmem:s29+$0x0];
	s19 =	sadd.s32 $0x0, s18  }
0x52: {  	s17 =	smul.u32 $0x10200, s31;
	v3 =	vld [tilespmem:s29+$0x10];
	[tilespmem:s19+$0x3870 ss:$0x81] =	vst.msk $0xffff, v0  }
0x53: {  	v2 =	vld [tilespmem:s29+$0x20];
	[tilespmem:s19+$0x810 ss:$0x81] =	vst.msk $0xffff, v1  }
0x54: {  	s20 =	sadd.s32 $0x80, s29;
	s17 =	sshrl.u32 s17, $0x2;
	v0 =	vld [tilespmem:s29+$0xFFFFFFC0];
	[tilespmem:s19+$0x1020 ss:$0x81] =	vst.msk $0xffff, v5  }
0x55: {  	s21 =	simm.s32 $0x4;
	s22 =	simm.s32 $0x8;
	s17 =	sor.u32 $0x8000, s17;
	v1 =	vld [tilespmem:s20+$0x30];
	[tilespmem:s19+$0x1830 ss:$0x81] =	vst.msk $0xffff, v6  }
.LBB1_3:
0x56: {  	p1 =	sne.s32 s22, $0x1FC;
	v5 =	vld [tilespmem:s20+$0xFFFFFFD0];
	[tilespmem:s19+$0x2040 ss:$0x81] =	vst.msk $0xffff, v4  }
0x57: {  	v6 =	vld [tilespmem:s20+$0xFFFFFFE0];
	[tilespmem:s19+$0x2850 ss:$0x81] =	vst.msk $0xffff, v3  }
0x58: {  	s23 =	sshra.s32 s21, $0x2;
	s21 =	smov.u32 s22;
	v7 =	vld [tilespmem:s20+$0xFFFFFFF0];
	[tilespmem:s19+$0x3060 ss:$0x81] =	vst.msk $0xffff, v2  }
.Ltmp3:
0x59: {  	v4 =	vld [tilespmem:s20+$0x0];
	[tilespmem:s19+$0x0 ss:$0x81] =	vst.msk $0xffff, v0;
	s19 =	sadd.s32 s23, s18;
	(pc) =	sbr.rel @p1 .LBB1_3-.Ltmp3, $4  }
0x5a: {  	v3 =	vld [tilespmem:s20+$0x10];
	[tilespmem:s19+$0x3870 ss:$0x81] =	vst.msk $0xffff, v1  }
0x5b: {  	[tilespmem:s19+$0x810 ss:$0x81] =	vst.msk $0xffff, v5;
	v2 =	vld [tilespmem:s20+$0x20]  }
0x5c: {  	v0 =	vld [tilespmem:s20+$0xFFFFFFC0];
	[tilespmem:s19+$0x1020 ss:$0x81] =	vst.msk $0xffff, v6;
	s20 =	sadd.s32 $0x80, s20  }
0x5d: {  	s22 =	sadd.s32 $0x4, s22;
	v1 =	vld [tilespmem:s20+$0x30];
	[tilespmem:s19+$0x1830 ss:$0x81] =	vst.msk $0xffff, v7  }
.Ltmp4:
0x5e: {  	_ = 	snop;
	(pc) =	sbr.rel .LBB1_4-.Ltmp4, $1  }
0x5f: {  	_ =	sdelay $0x3  }
.LBB1_6:
0x60: {  	_ =	sfence.sel $0x180000  }
0x61: {  	s2 =	simm.s32 $0x1;
	[bflag:$0x0] =	sbarrier.arrive $0xFFFF  }
0x62: {  	s31 =	simm.s32 $0x2;
	[sflag:s2] =	ssyncpa.u1 $0x1  }
0x63: {  	[sflag:s31] =	ssyncpa.u1 $0x1  }
0x64: {  	p0 =	sne.s32 s0, $0x0;
	_ =	strace $0x9000004D  }
0x65: {  	s0 =	sadd.s32 @!p0 $0x100000, s1;
	[bflag:$0x2] =	sbarrier.arrive $0xFFFF  }
0x66: {  	[sflag:s0] =	ssyncadd.tile.s32 @!p0 $0x1;
	_ =	shalt  }
.Lfunc_end1:
_tile_overlayer_lowered:
.L_overlay_start_2:
0x67: {  	(tag) =	ssettag $0x2  }
0x68: {  	s0 =	rddreg [dreg:$0x0];
	s2 =	stileid.u32  }
0x69: {  	s1 =	rddreg [dreg:$0x1];
	p0 =	sne.s32 s2, $0x0  }
0x6a: {  	s3 =	rddreg [dreg:$0x2];
	[bflag:$0x3] =	sbarrier.arrive $0xFFFF;
	s2 =	simm.s32 @!p0 $0x1C01  }
0x6b: {  	[timem:s3], [sflag:s2] =	dma.local @!p0 [hbm:s0], s1  }
0x6c: {  	s0 =	simm.s32 @!p0 $0x1  }
0x6d: {  	_ =	swait.ge @!p0 [sflag:s0], s1  }
0x6e: {  	s1 =	ssub.s32 @!p0 $0x0, s1;
	[sflag:s0] =	ssyncset.done @!p0 $0x0  }
0x6f: {  	[sflag:s0] =	ssyncadd.s32 @!p0 s1  }
0x70: {  	[bflag:$0x3] =	sbarrier.arrive $0xFFFF  }
0x71: {  	_ =	shalt  }

</sc_bundles>
